<compile_context>
chip_gen: v7x
topology: tpu7x:2x2x1
jax: 0.10.2.dev20260603
libtpu: 0.0.44.dev20260713+nightly
codegen_flags: <defaults>
</compile_context>

<pallas_src>
import functools

import jax
import jax.numpy as jnp
from jax import lax
from jax.experimental import pallas as pl
from jax.experimental.pallas import tpu as pltpu
from jax.experimental.pallas import tpu_sc as plsc

D = 64
NC = 2
NS = 16
NW = NC * NS
L = 16
NQ = 4


def _rsqrt_nr(x):
    bits = lax.bitcast_convert_type(x, jnp.int32)
    y = lax.bitcast_convert_type(
        jnp.int32(0x5F3759DF) - lax.shift_right_logical(bits, 1), jnp.float32
    )
    half = x * 0.5
    for _ in range(3):
        y = y * (1.5 - half * y * y)
    return y


def _make_kernel(batch):
    b_per_w = batch // NW
    mesh = plsc.VectorSubcoreMesh(core_axis_name="c", subcore_axis_name="s")

    @functools.partial(
        pl.kernel,
        mesh=mesh,
        out_type=jax.ShapeDtypeStruct((batch, D), jnp.float32),
        compiler_params=pltpu.CompilerParams(needs_layout_passes=False),
        scratch_types=[
            pltpu.VMEM((b_per_w,), jnp.int32),
            pltpu.VMEM((b_per_w, D), jnp.float32),
        ] + [pltpu.SemaphoreType.DMA] * NQ,
    )
    def k(table_hbm, idx_hbm, out_hbm, idx_v, rows_v, *sems):
        wid = lax.axis_index("s") * NC + lax.axis_index("c")
        base = wid * b_per_w
        pltpu.sync_copy(idx_hbm.at[pl.ds(base, b_per_w)], idx_v)

        def fire_body(g, carry):
            ids = idx_v[pl.ds(g * L, L)]
            for j in range(L):
                r = ids[j]
                pltpu.async_copy(
                    table_hbm.at[pl.ds(r, 1)],
                    rows_v.at[pl.ds(g * L + j, 1)],
                    sems[j % NQ],
                )
            return carry

        lax.fori_loop(0, b_per_w // L, fire_body, 0)

        def drain_body(i, carry):
            for q in range(NQ):
                pltpu.make_async_copy(
                    table_hbm.at[pl.ds(0, 1)], rows_v.at[pl.ds(0, 1)], sems[q]
                ).wait()
            return carry

        lax.fori_loop(0, b_per_w // NQ, drain_body, 0)

        def row_body(i, carry):
            vs = [rows_v[i, pl.ds(c * L, L)] for c in range(D // L)]
            s = vs[0] * vs[0]
            for v in vs[1:]:
                s = s + v * v
            sc = jnp.broadcast_to(_rsqrt_nr(jnp.sum(s)), (L,))
            for c, v in enumerate(vs):
                rows_v[i, pl.ds(c * L, L)] = v * sc
            return carry

        lax.fori_loop(0, b_per_w, row_body, 0, unroll=2)

        pltpu.sync_copy(rows_v, out_hbm.at[pl.ds(base, b_per_w)])

    return k


def kernel(user_ids, table):
    batch = user_ids.shape[0]
    k = _make_kernel(batch)
    return k(table, user_ids)

# --- scband reference (transcript-rebuilt; emitter-appended) ---
"""Pipeline reference for scband-user-embeddings-29970281791581 (READ-ONLY COPY).

The authoritative reference and input builder live on the scoring server;
editing this copy changes nothing except your own understanding.
"""

import jax, jax.numpy as jnp
import numpy as np

N_USERS = 1000000
D_USER = 64
BATCH = 16384


def setup_inputs(seed: int = 0) -> dict:
    key = jax.random.key(seed)
    k_idx, k_tab = jax.random.split(key)
    user_ids = jax.random.randint(k_idx, (BATCH,), 0, N_USERS, dtype=jnp.int64 if jax.config.jax_enable_x64 else jnp.int32)
    table = jax.random.normal(k_tab, (N_USERS, D_USER), dtype=jnp.float32) * 0.02
    return {"user_ids": user_ids, "table": table}


def reference(user_ids, table):
    emb = jnp.take(table, user_ids, axis=0)
    norm = jnp.linalg.norm(emb, axis=-1, keepdims=True)
    return emb / norm

if __name__ == "__main__":
    import jax
    _d = setup_inputs()
    print(jax.jit(kernel)(*tuple(_d.values())))

</pallas_src>

<mosaic_0001>
#map = affine_map<(d0, d1) -> (0, 0)>
#map1 = affine_map<(d0, d1) -> (0)>
module attributes {stable_mosaic.version = 14 : i64} {
  func.func @k(%arg0: i32, %arg1: i32, %arg2: memref<1000000x64xf32, #tpu.memory_space<hbm>>, %arg3: memref<16384xi32, #tpu.memory_space<hbm>>, %arg4: memref<16384x64xf32, #tpu.memory_space<hbm>>, %arg5: memref<512xi32, #tpu.memory_space<vmem>>, %arg6: memref<512x64xf32, #tpu.memory_space<vmem>>, %arg7: memref<!tpu.dma_semaphore, #tpu.memory_space<semaphore_mem>>, %arg8: memref<!tpu.dma_semaphore, #tpu.memory_space<semaphore_mem>>, %arg9: memref<!tpu.dma_semaphore, #tpu.memory_space<semaphore_mem>>, %arg10: memref<!tpu.dma_semaphore, #tpu.memory_space<semaphore_mem>>) attributes {dimension_semantics = [#tpu.dimension_semantics<core_parallel>, #tpu.dimension_semantics<subcore_parallel>], iteration_bounds = array<i64: 2, 16>, scalar_prefetch = 0 : i64, scratch_operands = 6 : i64, tpu.core_type = #tpu.core_type<sc_vector_subcore>, window_params = [{transform_indices = #map}, {transform_indices = #map1}, {transform_indices = #map}]} {
    %mul3A = arith.constant 2 : i32
    %mul3A_0 = arith.muli %arg1, %mul3A : i32
    %add3A = arith.addi %mul3A_0, %arg0 : i32
    %mul3A_1 = arith.constant 512 : i32
    %mul3A_2 = arith.muli %add3A, %mul3A_1 : i32
    "tpu.region"() ({
      %run_scoped3A = tpu.sem_alloc : memref<!tpu.dma_semaphore, #tpu.memory_space<semaphore_mem>>
      %dma_start3A = tpu.memref_slice %arg3[%mul3A_2] : memref<16384xi32, #tpu.memory_space<hbm>> -> memref<512xi32, #tpu.memory_space<hbm>>
      %dma_start3A_20 = tpu.memref_slice %arg3[%mul3A_2] : memref<16384xi32, #tpu.memory_space<hbm>> -> memref<512xi32, #tpu.memory_space<hbm>>
      tpu.enqueue_dma source(%dma_start3A_20 : memref<512xi32, #tpu.memory_space<hbm>>) target(%arg5 : memref<512xi32, #tpu.memory_space<vmem>>) target_semaphore(%run_scoped3A : memref<!tpu.dma_semaphore, #tpu.memory_space<semaphore_mem>>)
      %dma_wait3A = tpu.memref_slice %arg3[%mul3A_2] : memref<16384xi32, #tpu.memory_space<hbm>> -> memref<512xi32, #tpu.memory_space<hbm>>
      %dma_wait3A_21 = tpu.memref_slice %arg3[%mul3A_2] : memref<16384xi32, #tpu.memory_space<hbm>> -> memref<512xi32, #tpu.memory_space<hbm>>
      tpu.wait_dma2 semaphore(%run_scoped3A : memref<!tpu.dma_semaphore, #tpu.memory_space<semaphore_mem>>) src(%dma_wait3A_21 : memref<512xi32, #tpu.memory_space<hbm>>) dst(%arg5 : memref<512xi32, #tpu.memory_space<vmem>>)
      tpu.yield
    }) : () -> ()
    %scan3A = arith.constant 0 : i32
    %scan3A_3 = arith.constant 0 : i32
    %scan3A_4 = arith.constant 32 : i32
    %scan3A_5 = arith.addi %scan3A_3, %scan3A_4 : i32
    %scan3A_6 = arith.constant 1 : i32
    scf.for %scan3A_20 = %scan3A_3 to %scan3A_5 step %scan3A_6  : i32 {
      %mul3A_21 = arith.constant 16 : i32
      %mul3A_22 = arith.muli %scan3A_20, %mul3A_21 : i32
      %get3A = arith.index_cast %mul3A_22 : i32 to index
      %get3A_23 = tpu.vector_load %arg5[%get3A] {strides = array<i32>} : memref<512xi32, #tpu.memory_space<vmem>>, vector<16xi32>,
      %slice3A = vector.extract_strided_slice %get3A_23 {offsets = [0], sizes = [1], strides = [1]} : vector<16xi32> to vector<1xi32>
      %squeeze3A = vector.extract %slice3A[0] : i32 from vector<1xi32>
      %mul3A_24 = arith.constant 16 : i32
      %mul3A_25 = arith.muli %scan3A_20, %mul3A_24 : i32
      %add3A_26 = arith.constant 0 : i32
      %add3A_27 = arith.addi %mul3A_25, %add3A_26 : i32
      %dma_start3A = arith.constant 0 : i32
      %dma_start3A_28 = tpu.memref_slice %arg6[%add3A_27, %dma_start3A] : memref<512x64xf32, #tpu.memory_space<vmem>> -> memref<1x64xf32, #tpu.memory_space<vmem>>
      %dma_start3A_29 = arith.constant 0 : i32
      %dma_start3A_30 = tpu.memref_slice %arg2[%squeeze3A, %dma_start3A_29] : memref<1000000x64xf32, #tpu.memory_space<hbm>> -> memref<1x64xf32, #tpu.memory_space<hbm>>
      %dma_start3A_31 = arith.constant 0 : i32
      %dma_start3A_32 = tpu.memref_slice %arg6[%add3A_27, %dma_start3A_31] : memref<512x64xf32, #tpu.memory_space<vmem>> -> memref<1x64xf32, #tpu.memory_space<vmem>>
      %dma_start3A_33 = arith.constant 0 : i32
      %dma_start3A_34 = tpu.memref_slice %arg2[%squeeze3A, %dma_start3A_33] : memref<1000000x64xf32, #tpu.memory_space<hbm>> -> memref<1x64xf32, #tpu.memory_space<hbm>>
      tpu.enqueue_dma source(%dma_start3A_34 : memref<1x64xf32, #tpu.memory_space<hbm>>) target(%dma_start3A_32 : memref<1x64xf32, #tpu.memory_space<vmem>>) target_semaphore(%arg7 : memref<!tpu.dma_semaphore, #tpu.memory_space<semaphore_mem>>)
      %slice3A_35 = vector.extract_strided_slice %get3A_23 {offsets = [1], sizes = [1], strides = [1]} : vector<16xi32> to vector<1xi32>
      %squeeze3A_36 = vector.extract %slice3A_35[0] : i32 from vector<1xi32>
      %mul3A_37 = arith.constant 16 : i32
      %mul3A_38 = arith.muli %scan3A_20, %mul3A_37 : i32
      %add3A_39 = arith.constant 1 : i32
      %add3A_40 = arith.addi %mul3A_38, %add3A_39 : i32
      %dma_start3A_41 = arith.constant 0 : i32
      %dma_start3A_42 = tpu.memref_slice %arg6[%add3A_40, %dma_start3A_41] : memref<512x64xf32, #tpu.memory_space<vmem>> -> memref<1x64xf32, #tpu.memory_space<vmem>>
      %dma_start3A_43 = arith.constant 0 : i32
      %dma_start3A_44 = tpu.memref_slice %arg2[%squeeze3A_36, %dma_start3A_43] : memref<1000000x64xf32, #tpu.memory_space<hbm>> -> memref<1x64xf32, #tpu.memory_space<hbm>>
      %dma_start3A_45 = arith.constant 0 : i32
      %dma_start3A_46 = tpu.memref_slice %arg6[%add3A_40, %dma_start3A_45] : memref<512x64xf32, #tpu.memory_space<vmem>> -> memref<1x64xf32, #tpu.memory_space<vmem>>
      %dma_start3A_47 = arith.constant 0 : i32
      %dma_start3A_48 = tpu.memref_slice %arg2[%squeeze3A_36, %dma_start3A_47] : memref<1000000x64xf32, #tpu.memory_space<hbm>> -> memref<1x64xf32, #tpu.memory_space<hbm>>
      tpu.enqueue_dma source(%dma_start3A_48 : memref<1x64xf32, #tpu.memory_space<hbm>>) target(%dma_start3A_46 : memref<1x64xf32, #tpu.memory_space<vmem>>) target_semaphore(%arg8 : memref<!tpu.dma_semaphore, #tpu.memory_space<semaphore_mem>>)
      %slice3A_49 = vector.extract_strided_slice %get3A_23 {offsets = [2], sizes = [1], strides = [1]} : vector<16xi32> to vector<1xi32>
      %squeeze3A_50 = vector.extract %slice3A_49[0] : i32 from vector<1xi32>
      %mul3A_51 = arith.constant 16 : i32
      %mul3A_52 = arith.muli %scan3A_20, %mul3A_51 : i32
      %add3A_53 = arith.constant 2 : i32
      %add3A_54 = arith.addi %mul3A_52, %add3A_53 : i32
      %dma_start3A_55 = arith.constant 0 : i32
      %dma_start3A_56 = tpu.memref_slice %arg6[%add3A_54, %dma_start3A_55] : memref<512x64xf32, #tpu.memory_space<vmem>> -> memref<1x64xf32, #tpu.memory_space<vmem>>
      %dma_start3A_57 = arith.constant 0 : i32
      %dma_start3A_58 = tpu.memref_slice %arg2[%squeeze3A_50, %dma_start3A_57] : memref<1000000x64xf32, #tpu.memory_space<hbm>> -> memref<1x64xf32, #tpu.memory_space<hbm>>
      %dma_start3A_59 = arith.constant 0 : i32
      %dma_start3A_60 = tpu.memref_slice %arg6[%add3A_54, %dma_start3A_59] : memref<512x64xf32, #tpu.memory_space<vmem>> -> memref<1x64xf32, #tpu.memory_space<vmem>>
      %dma_start3A_61 = arith.constant 0 : i32
      %dma_start3A_62 = tpu.memref_slice %arg2[%squeeze3A_50, %dma_start3A_61] : memref<1000000x64xf32, #tpu.memory_space<hbm>> -> memref<1x64xf32, #tpu.memory_space<hbm>>
      tpu.enqueue_dma source(%dma_start3A_62 : memref<1x64xf32, #tpu.memory_space<hbm>>) target(%dma_start3A_60 : memref<1x64xf32, #tpu.memory_space<vmem>>) target_semaphore(%arg9 : memref<!tpu.dma_semaphore, #tpu.memory_space<semaphore_mem>>)
      %slice3A_63 = vector.extract_strided_slice %get3A_23 {offsets = [3], sizes = [1], strides = [1]} : vector<16xi32> to vector<1xi32>
      %squeeze3A_64 = vector.extract %slice3A_63[0] : i32 from vector<1xi32>
      %mul3A_65 = arith.constant 16 : i32
      %mul3A_66 = arith.muli %scan3A_20, %mul3A_65 : i32
      %add3A_67 = arith.constant 3 : i32
      %add3A_68 = arith.addi %mul3A_66, %add3A_67 : i32
      %dma_start3A_69 = arith.constant 0 : i32
      %dma_start3A_70 = tpu.memref_slice %arg6[%add3A_68, %dma_start3A_69] : memref<512x64xf32, #tpu.memory_space<vmem>> -> memref<1x64xf32, #tpu.memory_space<vmem>>
      %dma_start3A_71 = arith.constant 0 : i32
      %dma_start3A_72 = tpu.memref_slice %arg2[%squeeze3A_64, %dma_start3A_71] : memref<1000000x64xf32, #tpu.memory_space<hbm>> -> memref<1x64xf32, #tpu.memory_space<hbm>>
      %dma_start3A_73 = arith.constant 0 : i32
      %dma_start3A_74 = tpu.memref_slice %arg6[%add3A_68, %dma_start3A_73] : memref<512x64xf32, #tpu.memory_space<vmem>> -> memref<1x64xf32, #tpu.memory_space<vmem>>
      %dma_start3A_75 = arith.constant 0 : i32
      %dma_start3A_76 = tpu.memref_slice %arg2[%squeeze3A_64, %dma_start3A_75] : memref<1000000x64xf32, #tpu.memory_space<hbm>> -> memref<1x64xf32, #tpu.memory_space<hbm>>
      tpu.enqueue_dma source(%dma_start3A_76 : memref<1x64xf32, #tpu.memory_space<hbm>>) target(%dma_start3A_74 : memref<1x64xf32, #tpu.memory_space<vmem>>) target_semaphore(%arg10 : memref<!tpu.dma_semaphore, #tpu.memory_space<semaphore_mem>>)
      %slice3A_77 = vector.extract_strided_slice %get3A_23 {offsets = [4], sizes = [1], strides = [1]} : vector<16xi32> to vector<1xi32>
      %squeeze3A_78 = vector.extract %slice3A_77[0] : i32 from vector<1xi32>
      %mul3A_79 = arith.constant 16 : i32
      %mul3A_80 = arith.muli %scan3A_20, %mul3A_79 : i32
      %add3A_81 = arith.constant 4 : i32
      %add3A_82 = arith.addi %mul3A_80, %add3A_81 : i32
      %dma_start3A_83 = arith.constant 0 : i32
      %dma_start3A_84 = tpu.memref_slice %arg6[%add3A_82, %dma_start3A_83] : memref<512x64xf32, #tpu.memory_space<vmem>> -> memref<1x64xf32, #tpu.memory_space<vmem>>
      %dma_start3A_85 = arith.constant 0 : i32
      %dma_start3A_86 = tpu.memref_slice %arg2[%squeeze3A_78, %dma_start3A_85] : memref<1000000x64xf32, #tpu.memory_space<hbm>> -> memref<1x64xf32, #tpu.memory_space<hbm>>
      %dma_start3A_87 = arith.constant 0 : i32
      %dma_start3A_88 = tpu.memref_slice %arg6[%add3A_82, %dma_start3A_87] : memref<512x64xf32, #tpu.memory_space<vmem>> -> memref<1x64xf32, #tpu.memory_space<vmem>>
      %dma_start3A_89 = arith.constant 0 : i32
      %dma_start3A_90 = tpu.memref_slice %arg2[%squeeze3A_78, %dma_start3A_89] : memref<1000000x64xf32, #tpu.memory_space<hbm>> -> memref<1x64xf32, #tpu.memory_space<hbm>>
      tpu.enqueue_dma source(%dma_start3A_90 : memref<1x64xf32, #tpu.memory_space<hbm>>) target(%dma_start3A_88 : memref<1x64xf32, #tpu.memory_space<vmem>>) target_semaphore(%arg7 : memref<!tpu.dma_semaphore, #tpu.memory_space<semaphore_mem>>)
      %slice3A_91 = vector.extract_strided_slice %get3A_23 {offsets = [5], sizes = [1], strides = [1]} : vector<16xi32> to vector<1xi32>
      %squeeze3A_92 = vector.extract %slice3A_91[0] : i32 from vector<1xi32>
      %mul3A_93 = arith.constant 16 : i32
      %mul3A_94 = arith.muli %scan3A_20, %mul3A_93 : i32
      %add3A_95 = arith.constant 5 : i32
      %add3A_96 = arith.addi %mul3A_94, %add3A_95 : i32
      %dma_start3A_97 = arith.constant 0 : i32
      %dma_start3A_98 = tpu.memref_slice %arg6[%add3A_96, %dma_start3A_97] : memref<512x64xf32, #tpu.memory_space<vmem>> -> memref<1x64xf32, #tpu.memory_space<vmem>>
      %dma_start3A_99 = arith.constant 0 : i32
      %dma_start3A_100 = tpu.memref_slice %arg2[%squeeze3A_92, %dma_start3A_99] : memref<1000000x64xf32, #tpu.memory_space<hbm>> -> memref<1x64xf32, #tpu.memory_space<hbm>>
      %dma_start3A_101 = arith.constant 0 : i32
      %dma_start3A_102 = tpu.memref_slice %arg6[%add3A_96, %dma_start3A_101] : memref<512x64xf32, #tpu.memory_space<vmem>> -> memref<1x64xf32, #tpu.memory_space<vmem>>
      %dma_start3A_103 = arith.constant 0 : i32
      %dma_start3A_104 = tpu.memref_slice %arg2[%squeeze3A_92, %dma_start3A_103] : memref<1000000x64xf32, #tpu.memory_space<hbm>> -> memref<1x64xf32, #tpu.memory_space<hbm>>
      tpu.enqueue_dma source(%dma_start3A_104 : memref<1x64xf32, #tpu.memory_space<hbm>>) target(%dma_start3A_102 : memref<1x64xf32, #tpu.memory_space<vmem>>) target_semaphore(%arg8 : memref<!tpu.dma_semaphore, #tpu.memory_space<semaphore_mem>>)
      %slice3A_105 = vector.extract_strided_slice %get3A_23 {offsets = [6], sizes = [1], strides = [1]} : vector<16xi32> to vector<1xi32>
      %squeeze3A_106 = vector.extract %slice3A_105[0] : i32 from vector<1xi32>
      %mul3A_107 = arith.constant 16 : i32
      %mul3A_108 = arith.muli %scan3A_20, %mul3A_107 : i32
      %add3A_109 = arith.constant 6 : i32
      %add3A_110 = arith.addi %mul3A_108, %add3A_109 : i32
      %dma_start3A_111 = arith.constant 0 : i32
      %dma_start3A_112 = tpu.memref_slice %arg6[%add3A_110, %dma_start3A_111] : memref<512x64xf32, #tpu.memory_space<vmem>> -> memref<1x64xf32, #tpu.memory_space<vmem>>
      %dma_start3A_113 = arith.constant 0 : i32
      %dma_start3A_114 = tpu.memref_slice %arg2[%squeeze3A_106, %dma_start3A_113] : memref<1000000x64xf32, #tpu.memory_space<hbm>> -> memref<1x64xf32, #tpu.memory_space<hbm>>
      %dma_start3A_115 = arith.constant 0 : i32
      %dma_start3A_116 = tpu.memref_slice %arg6[%add3A_110, %dma_start3A_115] : memref<512x64xf32, #tpu.memory_space<vmem>> -> memref<1x64xf32, #tpu.memory_space<vmem>>
      %dma_start3A_117 = arith.constant 0 : i32
      %dma_start3A_118 = tpu.memref_slice %arg2[%squeeze3A_106, %dma_start3A_117] : memref<1000000x64xf32, #tpu.memory_space<hbm>> -> memref<1x64xf32, #tpu.memory_space<hbm>>
      tpu.enqueue_dma source(%dma_start3A_118 : memref<1x64xf32, #tpu.memory_space<hbm>>) target(%dma_start3A_116 : memref<1x64xf32, #tpu.memory_space<vmem>>) target_semaphore(%arg9 : memref<!tpu.dma_semaphore, #tpu.memory_space<semaphore_mem>>)
      %slice3A_119 = vector.extract_strided_slice %get3A_23 {offsets = [7], sizes = [1], strides = [1]} : vector<16xi32> to vector<1xi32>
      %squeeze3A_120 = vector.extract %slice3A_119[0] : i32 from vector<1xi32>
      %mul3A_121 = arith.constant 16 : i32
      %mul3A_122 = arith.muli %scan3A_20, %mul3A_121 : i32
      %add3A_123 = arith.constant 7 : i32
      %add3A_124 = arith.addi %mul3A_122, %add3A_123 : i32
      %dma_start3A_125 = arith.constant 0 : i32
      %dma_start3A_126 = tpu.memref_slice %arg6[%add3A_124, %dma_start3A_125] : memref<512x64xf32, #tpu.memory_space<vmem>> -> memref<1x64xf32, #tpu.memory_space<vmem>>
      %dma_start3A_127 = arith.constant 0 : i32
      %dma_start3A_128 = tpu.memref_slice %arg2[%squeeze3A_120, %dma_start3A_127] : memref<1000000x64xf32, #tpu.memory_space<hbm>> -> memref<1x64xf32, #tpu.memory_space<hbm>>
      %dma_start3A_129 = arith.constant 0 : i32
      %dma_start3A_130 = tpu.memref_slice %arg6[%add3A_124, %dma_start3A_129] : memref<512x64xf32, #tpu.memory_space<vmem>> -> memref<1x64xf32, #tpu.memory_space<vmem>>
      %dma_start3A_131 = arith.constant 0 : i32
      %dma_start3A_132 = tpu.memref_slice %arg2[%squeeze3A_120, %dma_start3A_131] : memref<1000000x64xf32, #tpu.memory_space<hbm>> -> memref<1x64xf32, #tpu.memory_space<hbm>>
      tpu.enqueue_dma source(%dma_start3A_132 : memref<1x64xf32, #tpu.memory_space<hbm>>) target(%dma_start3A_130 : memref<1x64xf32, #tpu.memory_space<vmem>>) target_semaphore(%arg10 : memref<!tpu.dma_semaphore, #tpu.memory_space<semaphore_mem>>)
      %slice3A_133 = vector.extract_strided_slice %get3A_23 {offsets = [8], sizes = [1], strides = [1]} : vector<16xi32> to vector<1xi32>
      %squeeze3A_134 = vector.extract %slice3A_133[0] : i32 from vector<1xi32>
      %mul3A_135 = arith.constant 16 : i32
      %mul3A_136 = arith.muli %scan3A_20, %mul3A_135 : i32
      %add3A_137 = arith.constant 8 : i32
      %add3A_138 = arith.addi %mul3A_136, %add3A_137 : i32
      %dma_start3A_139 = arith.constant 0 : i32
      %dma_start3A_140 = tpu.memref_slice %arg6[%add3A_138, %dma_start3A_139] : memref<512x64xf32, #tpu.memory_space<vmem>> -> memref<1x64xf32, #tpu.memory_space<vmem>>
      %dma_start3A_141 = arith.constant 0 : i32
      %dma_start3A_142 = tpu.memref_slice %arg2[%squeeze3A_134, %dma_start3A_141] : memref<1000000x64xf32, #tpu.memory_space<hbm>> -> memref<1x64xf32, #tpu.memory_space<hbm>>
      %dma_start3A_143 = arith.constant 0 : i32
      %dma_start3A_144 = tpu.memref_slice %arg6[%add3A_138, %dma_start3A_143] : memref<512x64xf32, #tpu.memory_space<vmem>> -> memref<1x64xf32, #tpu.memory_space<vmem>>
      %dma_start3A_145 = arith.constant 0 : i32
      %dma_start3A_146 = tpu.memref_slice %arg2[%squeeze3A_134, %dma_start3A_145] : memref<1000000x64xf32, #tpu.memory_space<hbm>> -> memref<1x64xf32, #tpu.memory_space<hbm>>
      tpu.enqueue_dma source(%dma_start3A_146 : memref<1x64xf32, #tpu.memory_space<hbm>>) target(%dma_start3A_144 : memref<1x64xf32, #tpu.memory_space<vmem>>) target_semaphore(%arg7 : memref<!tpu.dma_semaphore, #tpu.memory_space<semaphore_mem>>)
      %slice3A_147 = vector.extract_strided_slice %get3A_23 {offsets = [9], sizes = [1], strides = [1]} : vector<16xi32> to vector<1xi32>
      %squeeze3A_148 = vector.extract %slice3A_147[0] : i32 from vector<1xi32>
      %mul3A_149 = arith.constant 16 : i32
      %mul3A_150 = arith.muli %scan3A_20, %mul3A_149 : i32
      %add3A_151 = arith.constant 9 : i32
      %add3A_152 = arith.addi %mul3A_150, %add3A_151 : i32
      %dma_start3A_153 = arith.constant 0 : i32
      %dma_start3A_154 = tpu.memref_slice %arg6[%add3A_152, %dma_start3A_153] : memref<512x64xf32, #tpu.memory_space<vmem>> -> memref<1x64xf32, #tpu.memory_space<vmem>>
      %dma_start3A_155 = arith.constant 0 : i32
      %dma_start3A_156 = tpu.memref_slice %arg2[%squeeze3A_148, %dma_start3A_155] : memref<1000000x64xf32, #tpu.memory_space<hbm>> -> memref<1x64xf32, #tpu.memory_space<hbm>>
      %dma_start3A_157 = arith.constant 0 : i32
      %dma_start3A_158 = tpu.memref_slice %arg6[%add3A_152, %dma_start3A_157] : memref<512x64xf32, #tpu.memory_space<vmem>> -> memref<1x64xf32, #tpu.memory_space<vmem>>
      %dma_start3A_159 = arith.constant 0 : i32
      %dma_start3A_160 = tpu.memref_slice %arg2[%squeeze3A_148, %dma_start3A_159] : memref<1000000x64xf32, #tpu.memory_space<hbm>> -> memref<1x64xf32, #tpu.memory_space<hbm>>
      tpu.enqueue_dma source(%dma_start3A_160 : memref<1x64xf32, #tpu.memory_space<hbm>>) target(%dma_start3A_158 : memref<1x64xf32, #tpu.memory_space<vmem>>) target_semaphore(%arg8 : memref<!tpu.dma_semaphore, #tpu.memory_space<semaphore_mem>>)
      %slice3A_161 = vector.extract_strided_slice %get3A_23 {offsets = [10], sizes = [1], strides = [1]} : vector<16xi32> to vector<1xi32>
      %squeeze3A_162 = vector.extract %slice3A_161[0] : i32 from vector<1xi32>
      %mul3A_163 = arith.constant 16 : i32
      %mul3A_164 = arith.muli %scan3A_20, %mul3A_163 : i32
      %add3A_165 = arith.constant 10 : i32
      %add3A_166 = arith.addi %mul3A_164, %add3A_165 : i32
      %dma_start3A_167 = arith.constant 0 : i32
      %dma_start3A_168 = tpu.memref_slice %arg6[%add3A_166, %dma_start3A_167] : memref<512x64xf32, #tpu.memory_space<vmem>> -> memref<1x64xf32, #tpu.memory_space<vmem>>
      %dma_start3A_169 = arith.constant 0 : i32
      %dma_start3A_170 = tpu.memref_slice %arg2[%squeeze3A_162, %dma_start3A_169] : memref<1000000x64xf32, #tpu.memory_space<hbm>> -> memref<1x64xf32, #tpu.memory_space<hbm>>
      %dma_start3A_171 = arith.constant 0 : i32
      %dma_start3A_172 = tpu.memref_slice %arg6[%add3A_166, %dma_start3A_171] : memref<512x64xf32, #tpu.memory_space<vmem>> -> memref<1x64xf32, #tpu.memory_space<vmem>>
      %dma_start3A_173 = arith.constant 0 : i32
      %dma_start3A_174 = tpu.memref_slice %arg2[%squeeze3A_162, %dma_start3A_173] : memref<1000000x64xf32, #tpu.memory_space<hbm>> -> memref<1x64xf32, #tpu.memory_space<hbm>>
      tpu.enqueue_dma source(%dma_start3A_174 : memref<1x64xf32, #tpu.memory_space<hbm>>) target(%dma_start3A_172 : memref<1x64xf32, #tpu.memory_space<vmem>>) target_semaphore(%arg9 : memref<!tpu.dma_semaphore, #tpu.memory_space<semaphore_mem>>)
      %slice3A_175 = vector.extract_strided_slice %get3A_23 {offsets = [11], sizes = [1], strides = [1]} : vector<16xi32> to vector<1xi32>
      %squeeze3A_176 = vector.extract %slice3A_175[0] : i32 from vector<1xi32>
      %mul3A_177 = arith.constant 16 : i32
      %mul3A_178 = arith.muli %scan3A_20, %mul3A_177 : i32
      %add3A_179 = arith.constant 11 : i32
      %add3A_180 = arith.addi %mul3A_178, %add3A_179 : i32
      %dma_start3A_181 = arith.constant 0 : i32
      %dma_start3A_182 = tpu.memref_slice %arg6[%add3A_180, %dma_start3A_181] : memref<512x64xf32, #tpu.memory_space<vmem>> -> memref<1x64xf32, #tpu.memory_space<vmem>>
      %dma_start3A_183 = arith.constant 0 : i32
      %dma_start3A_184 = tpu.memref_slice %arg2[%squeeze3A_176, %dma_start3A_183] : memref<1000000x64xf32, #tpu.memory_space<hbm>> -> memref<1x64xf32, #tpu.memory_space<hbm>>
      %dma_start3A_185 = arith.constant 0 : i32
      %dma_start3A_186 = tpu.memref_slice %arg6[%add3A_180, %dma_start3A_185] : memref<512x64xf32, #tpu.memory_space<vmem>> -> memref<1x64xf32, #tpu.memory_space<vmem>>
      %dma_start3A_187 = arith.constant 0 : i32
      %dma_start3A_188 = tpu.memref_slice %arg2[%squeeze3A_176, %dma_start3A_187] : memref<1000000x64xf32, #tpu.memory_space<hbm>> -> memref<1x64xf32, #tpu.memory_space<hbm>>
      tpu.enqueue_dma source(%dma_start3A_188 : memref<1x64xf32, #tpu.memory_space<hbm>>) target(%dma_start3A_186 : memref<1x64xf32, #tpu.memory_space<vmem>>) target_semaphore(%arg10 : memref<!tpu.dma_semaphore, #tpu.memory_space<semaphore_mem>>)
      %slice3A_189 = vector.extract_strided_slice %get3A_23 {offsets = [12], sizes = [1], strides = [1]} : vector<16xi32> to vector<1xi32>
      %squeeze3A_190 = vector.extract %slice3A_189[0] : i32 from vector<1xi32>
      %mul3A_191 = arith.constant 16 : i32
      %mul3A_192 = arith.muli %scan3A_20, %mul3A_191 : i32
      %add3A_193 = arith.constant 12 : i32
      %add3A_194 = arith.addi %mul3A_192, %add3A_193 : i32
      %dma_start3A_195 = arith.constant 0 : i32
      %dma_start3A_196 = tpu.memref_slice %arg6[%add3A_194, %dma_start3A_195] : memref<512x64xf32, #tpu.memory_space<vmem>> -> memref<1x64xf32, #tpu.memory_space<vmem>>
      %dma_start3A_197 = arith.constant 0 : i32
      %dma_start3A_198 = tpu.memref_slice %arg2[%squeeze3A_190, %dma_start3A_197] : memref<1000000x64xf32, #tpu.memory_space<hbm>> -> memref<1x64xf32, #tpu.memory_space<hbm>>
      %dma_start3A_199 = arith.constant 0 : i32
      %dma_start3A_200 = tpu.memref_slice %arg6[%add3A_194, %dma_start3A_199] : memref<512x64xf32, #tpu.memory_space<vmem>> -> memref<1x64xf32, #tpu.memory_space<vmem>>
      %dma_start3A_201 = arith.constant 0 : i32
      %dma_start3A_202 = tpu.memref_slice %arg2[%squeeze3A_190, %dma_start3A_201] : memref<1000000x64xf32, #tpu.memory_space<hbm>> -> memref<1x64xf32, #tpu.memory_space<hbm>>
      tpu.enqueue_dma source(%dma_start3A_202 : memref<1x64xf32, #tpu.memory_space<hbm>>) target(%dma_start3A_200 : memref<1x64xf32, #tpu.memory_space<vmem>>) target_semaphore(%arg7 : memref<!tpu.dma_semaphore, #tpu.memory_space<semaphore_mem>>)
      %slice3A_203 = vector.extract_strided_slice %get3A_23 {offsets = [13], sizes = [1], strides = [1]} : vector<16xi32> to vector<1xi32>
      %squeeze3A_204 = vector.extract %slice3A_203[0] : i32 from vector<1xi32>
      %mul3A_205 = arith.constant 16 : i32
      %mul3A_206 = arith.muli %scan3A_20, %mul3A_205 : i32
      %add3A_207 = arith.constant 13 : i32
      %add3A_208 = arith.addi %mul3A_206, %add3A_207 : i32
      %dma_start3A_209 = arith.constant 0 : i32
      %dma_start3A_210 = tpu.memref_slice %arg6[%add3A_208, %dma_start3A_209] : memref<512x64xf32, #tpu.memory_space<vmem>> -> memref<1x64xf32, #tpu.memory_space<vmem>>
      %dma_start3A_211 = arith.constant 0 : i32
      %dma_start3A_212 = tpu.memref_slice %arg2[%squeeze3A_204, %dma_start3A_211] : memref<1000000x64xf32, #tpu.memory_space<hbm>> -> memref<1x64xf32, #tpu.memory_space<hbm>>
      %dma_start3A_213 = arith.constant 0 : i32
      %dma_start3A_214 = tpu.memref_slice %arg6[%add3A_208, %dma_start3A_213] : memref<512x64xf32, #tpu.memory_space<vmem>> -> memref<1x64xf32, #tpu.memory_space<vmem>>
      %dma_start3A_215 = arith.constant 0 : i32
      %dma_start3A_216 = tpu.memref_slice %arg2[%squeeze3A_204, %dma_start3A_215] : memref<1000000x64xf32, #tpu.memory_space<hbm>> -> memref<1x64xf32, #tpu.memory_space<hbm>>
      tpu.enqueue_dma source(%dma_start3A_216 : memref<1x64xf32, #tpu.memory_space<hbm>>) target(%dma_start3A_214 : memref<1x64xf32, #tpu.memory_space<vmem>>) target_semaphore(%arg8 : memref<!tpu.dma_semaphore, #tpu.memory_space<semaphore_mem>>)
      %slice3A_217 = vector.extract_strided_slice %get3A_23 {offsets = [14], sizes = [1], strides = [1]} : vector<16xi32> to vector<1xi32>
      %squeeze3A_218 = vector.extract %slice3A_217[0] : i32 from vector<1xi32>
      %mul3A_219 = arith.constant 16 : i32
      %mul3A_220 = arith.muli %scan3A_20, %mul3A_219 : i32
      %add3A_221 = arith.constant 14 : i32
      %add3A_222 = arith.addi %mul3A_220, %add3A_221 : i32
      %dma_start3A_223 = arith.constant 0 : i32
      %dma_start3A_224 = tpu.memref_slice %arg6[%add3A_222, %dma_start3A_223] : memref<512x64xf32, #tpu.memory_space<vmem>> -> memref<1x64xf32, #tpu.memory_space<vmem>>
      %dma_start3A_225 = arith.constant 0 : i32
      %dma_start3A_226 = tpu.memref_slice %arg2[%squeeze3A_218, %dma_start3A_225] : memref<1000000x64xf32, #tpu.memory_space<hbm>> -> memref<1x64xf32, #tpu.memory_space<hbm>>
      %dma_start3A_227 = arith.constant 0 : i32
      %dma_start3A_228 = tpu.memref_slice %arg6[%add3A_222, %dma_start3A_227] : memref<512x64xf32, #tpu.memory_space<vmem>> -> memref<1x64xf32, #tpu.memory_space<vmem>>
      %dma_start3A_229 = arith.constant 0 : i32
      %dma_start3A_230 = tpu.memref_slice %arg2[%squeeze3A_218, %dma_start3A_229] : memref<1000000x64xf32, #tpu.memory_space<hbm>> -> memref<1x64xf32, #tpu.memory_space<hbm>>
      tpu.enqueue_dma source(%dma_start3A_230 : memref<1x64xf32, #tpu.memory_space<hbm>>) target(%dma_start3A_228 : memref<1x64xf32, #tpu.memory_space<vmem>>) target_semaphore(%arg9 : memref<!tpu.dma_semaphore, #tpu.memory_space<semaphore_mem>>)
      %slice3A_231 = vector.extract_strided_slice %get3A_23 {offsets = [15], sizes = [1], strides = [1]} : vector<16xi32> to vector<1xi32>
      %squeeze3A_232 = vector.extract %slice3A_231[0] : i32 from vector<1xi32>
      %mul3A_233 = arith.constant 16 : i32
      %mul3A_234 = arith.muli %scan3A_20, %mul3A_233 : i32
      %add3A_235 = arith.constant 15 : i32
      %add3A_236 = arith.addi %mul3A_234, %add3A_235 : i32
      %dma_start3A_237 = arith.constant 0 : i32
      %dma_start3A_238 = tpu.memref_slice %arg6[%add3A_236, %dma_start3A_237] : memref<512x64xf32, #tpu.memory_space<vmem>> -> memref<1x64xf32, #tpu.memory_space<vmem>>
      %dma_start3A_239 = arith.constant 0 : i32
      %dma_start3A_240 = tpu.memref_slice %arg2[%squeeze3A_232, %dma_start3A_239] : memref<1000000x64xf32, #tpu.memory_space<hbm>> -> memref<1x64xf32, #tpu.memory_space<hbm>>
      %dma_start3A_241 = arith.constant 0 : i32
      %dma_start3A_242 = tpu.memref_slice %arg6[%add3A_236, %dma_start3A_241] : memref<512x64xf32, #tpu.memory_space<vmem>> -> memref<1x64xf32, #tpu.memory_space<vmem>>
      %dma_start3A_243 = arith.constant 0 : i32
      %dma_start3A_244 = tpu.memref_slice %arg2[%squeeze3A_232, %dma_start3A_243] : memref<1000000x64xf32, #tpu.memory_space<hbm>> -> memref<1x64xf32, #tpu.memory_space<hbm>>
      tpu.enqueue_dma source(%dma_start3A_244 : memref<1x64xf32, #tpu.memory_space<hbm>>) target(%dma_start3A_242 : memref<1x64xf32, #tpu.memory_space<vmem>>) target_semaphore(%arg10 : memref<!tpu.dma_semaphore, #tpu.memory_space<semaphore_mem>>)
    }
    %scan3A_7 = arith.constant 32 : i32
    %scan3A_8 = arith.constant 0 : i32
    %scan3A_9 = arith.constant 0 : i32
    %scan3A_10 = arith.constant 128 : i32
    %scan3A_11 = arith.addi %scan3A_9, %scan3A_10 : i32
    %scan3A_12 = arith.constant 1 : i32
    scf.for %scan3A_20 = %scan3A_9 to %scan3A_11 step %scan3A_12  : i32 {
      %dma_wait3A = arith.constant 0 : i32
      %dma_wait3A_21 = arith.constant 0 : i32
      %dma_wait3A_22 = tpu.memref_slice %arg6[%dma_wait3A, %dma_wait3A_21] : memref<512x64xf32, #tpu.memory_space<vmem>> -> memref<1x64xf32, #tpu.memory_space<vmem>>
      %dma_wait3A_23 = arith.constant 0 : i32
      %dma_wait3A_24 = arith.constant 0 : i32
      %dma_wait3A_25 = tpu.memref_slice %arg2[%dma_wait3A_23, %dma_wait3A_24] : memref<1000000x64xf32, #tpu.memory_space<hbm>> -> memref<1x64xf32, #tpu.memory_space<hbm>>
      %dma_wait3A_26 = arith.constant 0 : i32
      %dma_wait3A_27 = arith.constant 0 : i32
      %dma_wait3A_28 = tpu.memref_slice %arg6[%dma_wait3A_26, %dma_wait3A_27] : memref<512x64xf32, #tpu.memory_space<vmem>> -> memref<1x64xf32, #tpu.memory_space<vmem>>
      %dma_wait3A_29 = arith.constant 0 : i32
      %dma_wait3A_30 = arith.constant 0 : i32
      %dma_wait3A_31 = tpu.memref_slice %arg2[%dma_wait3A_29, %dma_wait3A_30] : memref<1000000x64xf32, #tpu.memory_space<hbm>> -> memref<1x64xf32, #tpu.memory_space<hbm>>
      tpu.wait_dma2 semaphore(%arg7 : memref<!tpu.dma_semaphore, #tpu.memory_space<semaphore_mem>>) src(%dma_wait3A_31 : memref<1x64xf32, #tpu.memory_space<hbm>>) dst(%dma_wait3A_28 : memref<1x64xf32, #tpu.memory_space<vmem>>)
      %dma_wait3A_32 = arith.constant 0 : i32
      %dma_wait3A_33 = arith.constant 0 : i32
      %dma_wait3A_34 = tpu.memref_slice %arg6[%dma_wait3A_32, %dma_wait3A_33] : memref<512x64xf32, #tpu.memory_space<vmem>> -> memref<1x64xf32, #tpu.memory_space<vmem>>
      %dma_wait3A_35 = arith.constant 0 : i32
      %dma_wait3A_36 = arith.constant 0 : i32
      %dma_wait3A_37 = tpu.memref_slice %arg2[%dma_wait3A_35, %dma_wait3A_36] : memref<1000000x64xf32, #tpu.memory_space<hbm>> -> memref<1x64xf32, #tpu.memory_space<hbm>>
      %dma_wait3A_38 = arith.constant 0 : i32
      %dma_wait3A_39 = arith.constant 0 : i32
      %dma_wait3A_40 = tpu.memref_slice %arg6[%dma_wait3A_38, %dma_wait3A_39] : memref<512x64xf32, #tpu.memory_space<vmem>> -> memref<1x64xf32, #tpu.memory_space<vmem>>
      %dma_wait3A_41 = arith.constant 0 : i32
      %dma_wait3A_42 = arith.constant 0 : i32
      %dma_wait3A_43 = tpu.memref_slice %arg2[%dma_wait3A_41, %dma_wait3A_42] : memref<1000000x64xf32, #tpu.memory_space<hbm>> -> memref<1x64xf32, #tpu.memory_space<hbm>>
      tpu.wait_dma2 semaphore(%arg8 : memref<!tpu.dma_semaphore, #tpu.memory_space<semaphore_mem>>) src(%dma_wait3A_43 : memref<1x64xf32, #tpu.memory_space<hbm>>) dst(%dma_wait3A_40 : memref<1x64xf32, #tpu.memory_space<vmem>>)
      %dma_wait3A_44 = arith.constant 0 : i32
      %dma_wait3A_45 = arith.constant 0 : i32
      %dma_wait3A_46 = tpu.memref_slice %arg6[%dma_wait3A_44, %dma_wait3A_45] : memref<512x64xf32, #tpu.memory_space<vmem>> -> memref<1x64xf32, #tpu.memory_space<vmem>>
      %dma_wait3A_47 = arith.constant 0 : i32
      %dma_wait3A_48 = arith.constant 0 : i32
      %dma_wait3A_49 = tpu.memref_slice %arg2[%dma_wait3A_47, %dma_wait3A_48] : memref<1000000x64xf32, #tpu.memory_space<hbm>> -> memref<1x64xf32, #tpu.memory_space<hbm>>
      %dma_wait3A_50 = arith.constant 0 : i32
      %dma_wait3A_51 = arith.constant 0 : i32
      %dma_wait3A_52 = tpu.memref_slice %arg6[%dma_wait3A_50, %dma_wait3A_51] : memref<512x64xf32, #tpu.memory_space<vmem>> -> memref<1x64xf32, #tpu.memory_space<vmem>>
      %dma_wait3A_53 = arith.constant 0 : i32
      %dma_wait3A_54 = arith.constant 0 : i32
      %dma_wait3A_55 = tpu.memref_slice %arg2[%dma_wait3A_53, %dma_wait3A_54] : memref<1000000x64xf32, #tpu.memory_space<hbm>> -> memref<1x64xf32, #tpu.memory_space<hbm>>
      tpu.wait_dma2 semaphore(%arg9 : memref<!tpu.dma_semaphore, #tpu.memory_space<semaphore_mem>>) src(%dma_wait3A_55 : memref<1x64xf32, #tpu.memory_space<hbm>>) dst(%dma_wait3A_52 : memref<1x64xf32, #tpu.memory_space<vmem>>)
      %dma_wait3A_56 = arith.constant 0 : i32
      %dma_wait3A_57 = arith.constant 0 : i32
      %dma_wait3A_58 = tpu.memref_slice %arg6[%dma_wait3A_56, %dma_wait3A_57] : memref<512x64xf32, #tpu.memory_space<vmem>> -> memref<1x64xf32, #tpu.memory_space<vmem>>
      %dma_wait3A_59 = arith.constant 0 : i32
      %dma_wait3A_60 = arith.constant 0 : i32
      %dma_wait3A_61 = tpu.memref_slice %arg2[%dma_wait3A_59, %dma_wait3A_60] : memref<1000000x64xf32, #tpu.memory_space<hbm>> -> memref<1x64xf32, #tpu.memory_space<hbm>>
      %dma_wait3A_62 = arith.constant 0 : i32
      %dma_wait3A_63 = arith.constant 0 : i32
      %dma_wait3A_64 = tpu.memref_slice %arg6[%dma_wait3A_62, %dma_wait3A_63] : memref<512x64xf32, #tpu.memory_space<vmem>> -> memref<1x64xf32, #tpu.memory_space<vmem>>
      %dma_wait3A_65 = arith.constant 0 : i32
      %dma_wait3A_66 = arith.constant 0 : i32
      %dma_wait3A_67 = tpu.memref_slice %arg2[%dma_wait3A_65, %dma_wait3A_66] : memref<1000000x64xf32, #tpu.memory_space<hbm>> -> memref<1x64xf32, #tpu.memory_space<hbm>>
      tpu.wait_dma2 semaphore(%arg10 : memref<!tpu.dma_semaphore, #tpu.memory_space<semaphore_mem>>) src(%dma_wait3A_67 : memref<1x64xf32, #tpu.memory_space<hbm>>) dst(%dma_wait3A_64 : memref<1x64xf32, #tpu.memory_space<vmem>>)
    }
    %scan3A_13 = arith.constant 128 : i32
    %scan3A_14 = arith.constant 0 : i32
    %scan3A_15 = arith.constant 0 : i32
    %scan3A_16 = arith.constant 512 : i32
    %scan3A_17 = arith.addi %scan3A_15, %scan3A_16 : i32
    %scan3A_18 = arith.constant 2 : i32
    scf.for %scan3A_20 = %scan3A_15 to %scan3A_17 step %scan3A_18  : i32 {
      %get3A = arith.index_cast %scan3A_20 : i32 to index
      %get3A_21 = arith.constant 0 : index
      %get3A_22 = tpu.vector_load %arg6[%get3A, %get3A_21] {strides = array<i32>} : memref<512x64xf32, #tpu.memory_space<vmem>>, vector<16xf32>,
      %get3A_23 = arith.index_cast %scan3A_20 : i32 to index
      %get3A_24 = arith.constant 16 : index
      %get3A_25 = tpu.vector_load %arg6[%get3A_23, %get3A_24] {strides = array<i32>} : memref<512x64xf32, #tpu.memory_space<vmem>>, vector<16xf32>,
      %get3A_26 = arith.index_cast %scan3A_20 : i32 to index
      %get3A_27 = arith.constant 32 : index
      %get3A_28 = tpu.vector_load %arg6[%get3A_26, %get3A_27] {strides = array<i32>} : memref<512x64xf32, #tpu.memory_space<vmem>>, vector<16xf32>,
      %get3A_29 = arith.index_cast %scan3A_20 : i32 to index
      %get3A_30 = arith.constant 48 : index
      %get3A_31 = tpu.vector_load %arg6[%get3A_29, %get3A_30] {strides = array<i32>} : memref<512x64xf32, #tpu.memory_space<vmem>>, vector<16xf32>,
      %mul3A_32 = arith.mulf %get3A_22, %get3A_22 : vector<16xf32>
      %mul3A_33 = arith.mulf %get3A_25, %get3A_25 : vector<16xf32>
      %add3A_34 = arith.addf %mul3A_32, %mul3A_33 : vector<16xf32>
      %mul3A_35 = arith.mulf %get3A_28, %get3A_28 : vector<16xf32>
      %add3A_36 = arith.addf %add3A_34, %mul3A_35 : vector<16xf32>
      %mul3A_37 = arith.mulf %get3A_31, %get3A_31 : vector<16xf32>
      %add3A_38 = arith.addf %add3A_36, %mul3A_37 : vector<16xf32>
      %reduce_sum3A = arith.constant true
      %reduce_sum3A_39 = vector.broadcast %reduce_sum3A : i1 to vector<16xi1>
      %reduce_sum3A_40 = tpu.scan <sum>, %add3A_38 masked %reduce_sum3A_39 : vector<16xf32>, vector<16xi1> -> vector<16xf32>
      %reduce_sum3A_41 = vector.extract %reduce_sum3A_40[15] : f32 from vector<16xf32>
      %bitcast_convert_type3A = arith.bitcast %reduce_sum3A_41 : f32 to i32
      %shift_right_logical3A = arith.constant 1 : i32
      %shift_right_logical3A_42 = arith.shrui %bitcast_convert_type3A, %shift_right_logical3A : i32
      %sub3A = arith.constant 1597463007 : i32
      %sub3A_43 = arith.subi %sub3A, %shift_right_logical3A_42 : i32
      %bitcast_convert_type3A_44 = arith.bitcast %sub3A_43 : i32 to f32
      %mul3A_45 = arith.constant 5.000000e-01 : f32
      %mul3A_46 = arith.mulf %reduce_sum3A_41, %mul3A_45 : f32
      %mul3A_47 = arith.mulf %mul3A_46, %bitcast_convert_type3A_44 : f32
      %mul3A_48 = arith.mulf %mul3A_47, %bitcast_convert_type3A_44 : f32
      %sub3A_49 = arith.constant 1.500000e+00 : f32
      %sub3A_50 = arith.subf %sub3A_49, %mul3A_48 : f32
      %mul3A_51 = arith.mulf %bitcast_convert_type3A_44, %sub3A_50 : f32
      %mul3A_52 = arith.mulf %mul3A_46, %mul3A_51 : f32
      %mul3A_53 = arith.mulf %mul3A_52, %mul3A_51 : f32
      %sub3A_54 = arith.constant 1.500000e+00 : f32
      %sub3A_55 = arith.subf %sub3A_54, %mul3A_53 : f32
      %mul3A_56 = arith.mulf %mul3A_51, %sub3A_55 : f32
      %mul3A_57 = arith.mulf %mul3A_46, %mul3A_56 : f32
      %mul3A_58 = arith.mulf %mul3A_57, %mul3A_56 : f32
      %sub3A_59 = arith.constant 1.500000e+00 : f32
      %sub3A_60 = arith.subf %sub3A_59, %mul3A_58 : f32
      %mul3A_61 = arith.mulf %mul3A_56, %sub3A_60 : f32
      %broadcast_in_dim3A = vector.broadcast %mul3A_61 : f32 to vector<16xf32>
      %mul3A_62 = arith.mulf %get3A_22, %broadcast_in_dim3A : vector<16xf32>
      %swap3A = arith.index_cast %scan3A_20 : i32 to index
      %swap3A_63 = arith.constant 0 : index
      %swap3A_64 = tpu.vector_load %arg6[%swap3A, %swap3A_63] {strides = array<i32>} : memref<512x64xf32, #tpu.memory_space<vmem>>, vector<16xf32>,
      tpu.vector_store %arg6[%swap3A, %swap3A_63], %mul3A_62 {strides = array<i32>} : memref<512x64xf32, #tpu.memory_space<vmem>>, vector<16xf32>,
      %mul3A_65 = arith.mulf %get3A_25, %broadcast_in_dim3A : vector<16xf32>
      %swap3A_66 = arith.index_cast %scan3A_20 : i32 to index
      %swap3A_67 = arith.constant 16 : index
      %swap3A_68 = tpu.vector_load %arg6[%swap3A_66, %swap3A_67] {strides = array<i32>} : memref<512x64xf32, #tpu.memory_space<vmem>>, vector<16xf32>,
      tpu.vector_store %arg6[%swap3A_66, %swap3A_67], %mul3A_65 {strides = array<i32>} : memref<512x64xf32, #tpu.memory_space<vmem>>, vector<16xf32>,
      %mul3A_69 = arith.mulf %get3A_28, %broadcast_in_dim3A : vector<16xf32>
      %swap3A_70 = arith.index_cast %scan3A_20 : i32 to index
      %swap3A_71 = arith.constant 32 : index
      %swap3A_72 = tpu.vector_load %arg6[%swap3A_70, %swap3A_71] {strides = array<i32>} : memref<512x64xf32, #tpu.memory_space<vmem>>, vector<16xf32>,
      tpu.vector_store %arg6[%swap3A_70, %swap3A_71], %mul3A_69 {strides = array<i32>} : memref<512x64xf32, #tpu.memory_space<vmem>>, vector<16xf32>,
      %mul3A_73 = arith.mulf %get3A_31, %broadcast_in_dim3A : vector<16xf32>
      %swap3A_74 = arith.index_cast %scan3A_20 : i32 to index
      %swap3A_75 = arith.constant 48 : index
      %swap3A_76 = tpu.vector_load %arg6[%swap3A_74, %swap3A_75] {strides = array<i32>} : memref<512x64xf32, #tpu.memory_space<vmem>>, vector<16xf32>,
      tpu.vector_store %arg6[%swap3A_74, %swap3A_75], %mul3A_73 {strides = array<i32>} : memref<512x64xf32, #tpu.memory_space<vmem>>, vector<16xf32>,
      %scan3A_77 = arith.constant 1 : i32
      %scan3A_78 = arith.addi %scan3A_20, %scan3A_77 : i32
      %get3A_79 = arith.index_cast %scan3A_78 : i32 to index
      %get3A_80 = arith.constant 0 : index
      %get3A_81 = tpu.vector_load %arg6[%get3A_79, %get3A_80] {strides = array<i32>} : memref<512x64xf32, #tpu.memory_space<vmem>>, vector<16xf32>,
      %get3A_82 = arith.index_cast %scan3A_78 : i32 to index
      %get3A_83 = arith.constant 16 : index
      %get3A_84 = tpu.vector_load %arg6[%get3A_82, %get3A_83] {strides = array<i32>} : memref<512x64xf32, #tpu.memory_space<vmem>>, vector<16xf32>,
      %get3A_85 = arith.index_cast %scan3A_78 : i32 to index
      %get3A_86 = arith.constant 32 : index
      %get3A_87 = tpu.vector_load %arg6[%get3A_85, %get3A_86] {strides = array<i32>} : memref<512x64xf32, #tpu.memory_space<vmem>>, vector<16xf32>,
      %get3A_88 = arith.index_cast %scan3A_78 : i32 to index
      %get3A_89 = arith.constant 48 : index
      %get3A_90 = tpu.vector_load %arg6[%get3A_88, %get3A_89] {strides = array<i32>} : memref<512x64xf32, #tpu.memory_space<vmem>>, vector<16xf32>,
      %mul3A_91 = arith.mulf %get3A_81, %get3A_81 : vector<16xf32>
      %mul3A_92 = arith.mulf %get3A_84, %get3A_84 : vector<16xf32>
      %add3A_93 = arith.addf %mul3A_91, %mul3A_92 : vector<16xf32>
      %mul3A_94 = arith.mulf %get3A_87, %get3A_87 : vector<16xf32>
      %add3A_95 = arith.addf %add3A_93, %mul3A_94 : vector<16xf32>
      %mul3A_96 = arith.mulf %get3A_90, %get3A_90 : vector<16xf32>
      %add3A_97 = arith.addf %add3A_95, %mul3A_96 : vector<16xf32>
      %reduce_sum3A_98 = arith.constant true
      %reduce_sum3A_99 = vector.broadcast %reduce_sum3A_98 : i1 to vector<16xi1>
      %reduce_sum3A_100 = tpu.scan <sum>, %add3A_97 masked %reduce_sum3A_99 : vector<16xf32>, vector<16xi1> -> vector<16xf32>
      %reduce_sum3A_101 = vector.extract %reduce_sum3A_100[15] : f32 from vector<16xf32>
      %bitcast_convert_type3A_102 = arith.bitcast %reduce_sum3A_101 : f32 to i32
      %shift_right_logical3A_103 = arith.constant 1 : i32
      %shift_right_logical3A_104 = arith.shrui %bitcast_convert_type3A_102, %shift_right_logical3A_103 : i32
      %sub3A_105 = arith.constant 1597463007 : i32
      %sub3A_106 = arith.subi %sub3A_105, %shift_right_logical3A_104 : i32
      %bitcast_convert_type3A_107 = arith.bitcast %sub3A_106 : i32 to f32
      %mul3A_108 = arith.constant 5.000000e-01 : f32
      %mul3A_109 = arith.mulf %reduce_sum3A_101, %mul3A_108 : f32
      %mul3A_110 = arith.mulf %mul3A_109, %bitcast_convert_type3A_107 : f32
      %mul3A_111 = arith.mulf %mul3A_110, %bitcast_convert_type3A_107 : f32
      %sub3A_112 = arith.constant 1.500000e+00 : f32
      %sub3A_113 = arith.subf %sub3A_112, %mul3A_111 : f32
      %mul3A_114 = arith.mulf %bitcast_convert_type3A_107, %sub3A_113 : f32
      %mul3A_115 = arith.mulf %mul3A_109, %mul3A_114 : f32
      %mul3A_116 = arith.mulf %mul3A_115, %mul3A_114 : f32
      %sub3A_117 = arith.constant 1.500000e+00 : f32
      %sub3A_118 = arith.subf %sub3A_117, %mul3A_116 : f32
      %mul3A_119 = arith.mulf %mul3A_114, %sub3A_118 : f32
      %mul3A_120 = arith.mulf %mul3A_109, %mul3A_119 : f32
      %mul3A_121 = arith.mulf %mul3A_120, %mul3A_119 : f32
      %sub3A_122 = arith.constant 1.500000e+00 : f32
      %sub3A_123 = arith.subf %sub3A_122, %mul3A_121 : f32
      %mul3A_124 = arith.mulf %mul3A_119, %sub3A_123 : f32
      %broadcast_in_dim3A_125 = vector.broadcast %mul3A_124 : f32 to vector<16xf32>
      %mul3A_126 = arith.mulf %get3A_81, %broadcast_in_dim3A_125 : vector<16xf32>
      %swap3A_127 = arith.index_cast %scan3A_78 : i32 to index
      %swap3A_128 = arith.constant 0 : index
      %swap3A_129 = tpu.vector_load %arg6[%swap3A_127, %swap3A_128] {strides = array<i32>} : memref<512x64xf32, #tpu.memory_space<vmem>>, vector<16xf32>,
      tpu.vector_store %arg6[%swap3A_127, %swap3A_128], %mul3A_126 {strides = array<i32>} : memref<512x64xf32, #tpu.memory_space<vmem>>, vector<16xf32>,
      %mul3A_130 = arith.mulf %get3A_84, %broadcast_in_dim3A_125 : vector<16xf32>
      %swap3A_131 = arith.index_cast %scan3A_78 : i32 to index
      %swap3A_132 = arith.constant 16 : index
      %swap3A_133 = tpu.vector_load %arg6[%swap3A_131, %swap3A_132] {strides = array<i32>} : memref<512x64xf32, #tpu.memory_space<vmem>>, vector<16xf32>,
      tpu.vector_store %arg6[%swap3A_131, %swap3A_132], %mul3A_130 {strides = array<i32>} : memref<512x64xf32, #tpu.memory_space<vmem>>, vector<16xf32>,
      %mul3A_134 = arith.mulf %get3A_87, %broadcast_in_dim3A_125 : vector<16xf32>
      %swap3A_135 = arith.index_cast %scan3A_78 : i32 to index
      %swap3A_136 = arith.constant 32 : index
      %swap3A_137 = tpu.vector_load %arg6[%swap3A_135, %swap3A_136] {strides = array<i32>} : memref<512x64xf32, #tpu.memory_space<vmem>>, vector<16xf32>,
      tpu.vector_store %arg6[%swap3A_135, %swap3A_136], %mul3A_134 {strides = array<i32>} : memref<512x64xf32, #tpu.memory_space<vmem>>, vector<16xf32>,
      %mul3A_138 = arith.mulf %get3A_90, %broadcast_in_dim3A_125 : vector<16xf32>
      %swap3A_139 = arith.index_cast %scan3A_78 : i32 to index
      %swap3A_140 = arith.constant 48 : index
      %swap3A_141 = tpu.vector_load %arg6[%swap3A_139, %swap3A_140] {strides = array<i32>} : memref<512x64xf32, #tpu.memory_space<vmem>>, vector<16xf32>,
      tpu.vector_store %arg6[%swap3A_139, %swap3A_140], %mul3A_138 {strides = array<i32>} : memref<512x64xf32, #tpu.memory_space<vmem>>, vector<16xf32>,
    }
    %scan3A_19 = arith.constant 512 : i32
    "tpu.region"() ({
      %run_scoped3A = tpu.sem_alloc : memref<!tpu.dma_semaphore, #tpu.memory_space<semaphore_mem>>
      %dma_start3A = arith.constant 0 : i32
      %dma_start3A_20 = tpu.memref_slice %arg4[%mul3A_2, %dma_start3A] : memref<16384x64xf32, #tpu.memory_space<hbm>> -> memref<512x64xf32, #tpu.memory_space<hbm>>
      %dma_start3A_21 = arith.constant 0 : i32
      %dma_start3A_22 = tpu.memref_slice %arg4[%mul3A_2, %dma_start3A_21] : memref<16384x64xf32, #tpu.memory_space<hbm>> -> memref<512x64xf32, #tpu.memory_space<hbm>>
      tpu.enqueue_dma source(%arg6 : memref<512x64xf32, #tpu.memory_space<vmem>>) target(%dma_start3A_22 : memref<512x64xf32, #tpu.memory_space<hbm>>) target_semaphore(%run_scoped3A : memref<!tpu.dma_semaphore, #tpu.memory_space<semaphore_mem>>)
      %dma_wait3A = arith.constant 0 : i32
      %dma_wait3A_23 = tpu.memref_slice %arg4[%mul3A_2, %dma_wait3A] : memref<16384x64xf32, #tpu.memory_space<hbm>> -> memref<512x64xf32, #tpu.memory_space<hbm>>
      %dma_wait3A_24 = arith.constant 0 : i32
      %dma_wait3A_25 = tpu.memref_slice %arg4[%mul3A_2, %dma_wait3A_24] : memref<16384x64xf32, #tpu.memory_space<hbm>> -> memref<512x64xf32, #tpu.memory_space<hbm>>
      tpu.wait_dma2 semaphore(%run_scoped3A : memref<!tpu.dma_semaphore, #tpu.memory_space<semaphore_mem>>) src(%arg6 : memref<512x64xf32, #tpu.memory_space<vmem>>) dst(%dma_wait3A_25 : memref<512x64xf32, #tpu.memory_space<hbm>>)
      tpu.yield
    }) : () -> ()
    return
  }
}

</mosaic_0001>

<sc_bundles>
// kernel: kernel.3.cloned.1.call-start
scs
__scs_entry_jumppad:
0x0: {  	(pc) =	sbr.rel $0x88, $3  }
0x1: {  	(tag) =	ssettag $0x0;
	lr =	simm.s32 $0x1  }
0x2: {  	[smem:$0x3F9F] =	sst lr;
	_ =	strace $0xD0000000  }
0x3: {  	_ = 	snop  }
0x4: {  	_ = 	snop  }
0x5: {  	_ = 	snop  }
0x6: {  	_ = 	snop  }
0x7: {  	_ = 	snop  }
__scs_overlays_trampoline_lowered:
0x8: {  	[smem:$0x3FAE] =	sst s0  }
0x9: {  	[smem:$0x3FAF] =	sst s1  }
0xa: {  	[smem:$0x3FB0] =	sst s2  }
0xb: {  	[smem:$0x3FB1] =	sst s3  }
0xc: {  	[smem:$0x3FB2] =	sst s4  }
0xd: {  	[smem:$0x3FB3] =	sst s5  }
0xe: {  	[smem:$0x3FB4] =	sst s6  }
0xf: {  	[smem:$0x3FB5] =	sst s7  }
0x10: {  	[smem:$0x3FB6] =	sst s8  }
0x11: {  	[smem:$0x3FB7] =	sst s9;
	s0 =	simm.s32 @!p0 $0x0  }
0x12: {  	s1 =	sld [smem:$0x3F9D];
	s0 =	simm.s32 @p0 $0x1  }
0x13: {  	[smem:$0x3FB8] =	sst s0;
	s0 =	simm.s32 @!p1 $0x0  }
0x14: {  	s2 =	sld [smem:$0x3F9C];
	s0 =	simm.s32 @p1 $0x1  }
0x15: {  	[smem:$0x3FB9] =	sst s0;
	s0 =	simm.s32 @!p2 $0x0  }
0x16: {  	s3 =	sld [smem:$0x3FDB];
	s0 =	simm.s32 @p2 $0x1  }
0x17: {  	s4 =	simm.s32 $0x1BF5;
	[smem:$0x3FBB] =	sst s0  }
0x18: {  	s0 =	sld [smem:$0x3F9E];
	_ =	swait.ge [sflag:s4], $0x0  }
0x19: {  	s7 =	sld [smem:$0x3F9F]  }
0x1a: {  	s8 =	sadd.s32 $0xFFFFE003, lr  }
0x1b: {  	s9 =	sadd.s32 $0xFFFFFEF7, lr;
	s5 =	simm.s32 $0xFFFFFFFF;
	p2 =	slt.u32 s8, $0xFFFFF086  }
0x1c: {  	p1 =	slt.u32 s9, $0xF7A;
	s5 =	simm.s32 @!p2 $0x0  }
0x1d: {  	s5 =	simm.s32 @p1 $0x1;
	p0 =	seq.s32 s7, s2  }
0x1e: {  	s7 =	smul.u32 @!p0 $0xF7A, s2;
	p2 =	seq.s32 @!p0 s5, $0x0  }
0x1f: {  	s9 =	smul.u32 $0xF7A, s1;
	s8 =	simm.s32 @!p0 $0x1BF5;
	p2 =	por !p2, p0  }
0x20: {  	[sflag:s8] =	ssyncset.s32 @!p0 $0xFFFFF086;
	s6 =	sadd.s32 @!p0 s3, s7;
	s7 =	simm.s32 @!p0 $0x108  }
0x21: {  	s3 =	sadd.s32 s3, s9;
	s6 =	sadd.s32 @!p0 $0x88, s6;
	s7 =	simm.s32 @p2 $0x1082  }
0x22: {  	[simem:s7], [sflag:s8] =	dma.local @!p0 [hbm:s6], $0xF7A  }
0x23: {  	s9 =	sor.u32 $0xD0000000, s2;
	s6 =	simm.s32 $0x108;
	_ =	swait.ge @!p0 [sflag:s8], $0x0  }
0x24: {  	s3 =	sadd.s32 $0x88, s3;
	s6 =	simm.s32 @!p1 $0x1082;
	[sflag:s4] =	ssyncset.s32 $0xFFFFF086  }
0x25: {  	[simem:s6], [sflag:s4] =	dma.local [hbm:s3], $0xF7A  }
0x26: {  	[smem:$0x3F9F] =	sst s1;
	(tag) =	ssettag s2;
	_ =	strace s9  }
0x27: {  	s1 =	sld [smem:$0x3FAF]  }
0x28: {  	s2 =	sld [smem:$0x3FB0]  }
0x29: {  	s4 =	sld [smem:$0x3FB2]  }
0x2a: {  	p0 =	seq.s32 s5, $0x0;
	s5 =	sld [smem:$0x3FB3]  }
0x2b: {  	s6 =	sld [smem:$0x3FB4]  }
0x2c: {  	s7 =	sld [smem:$0x3FB5]  }
0x2d: {  	s3 =	simm.s32 $0x108;
	s8 =	sld [smem:$0x3FB6]  }
0x2e: {  	s3 =	simm.s32 @!p0 $0x1082;
	s9 =	sld [smem:$0x3FB7]  }
0x2f: {  	lr =	sadd.s32 s0, s3;
	s0 =	sld [smem:$0x3FAE]  }
0x30: {  	s3 =	sld [smem:$0x3FB1]  }
0x31: {  	[smem:$0x3FBA] =	sst s10  }
0x32: {  	s10 =	sld [smem:$0x3FB8];
	_ =	sdelay $0x3  }
0x33: {  	p0 =	seq.s32 s10, $0x1;
	s10 =	sld [smem:$0x3FBA];
	_ =	sdelay $0x3  }
0x34: {  	[smem:$0x3FBA] =	sst s10  }
0x35: {  	s10 =	sld [smem:$0x3FB9];
	_ =	sdelay $0x3  }
0x36: {  	p1 =	seq.s32 s10, $0x1;
	s10 =	sld [smem:$0x3FBA];
	_ =	sdelay $0x3  }
0x37: {  	[smem:$0x3FBA] =	sst s10  }
0x38: {  	s10 =	sld [smem:$0x3FBB]  }
0x39: {  	_ = 	snop;
	(pc) =	sbr.ind lr, $3  }
0x3a: {  	_ = 	snop  }
0x3b: {  	_ = 	snop  }
0x3c: {  	p2 =	seq.s32 s10, $0x1;
	s10 =	sld [smem:$0x3FBA]  }
0x3d: {  	_ =	shalt  }
0x3e: {  	_ =	shalt  }
0x3f: {  	_ =	shalt  }
0x40: {  	_ =	shalt  }
0x41: {  	_ =	shalt  }
0x42: {  	_ =	shalt  }
0x43: {  	_ =	shalt  }
0x44: {  	_ =	shalt  }
0x45: {  	_ =	shalt  }
0x46: {  	_ =	shalt  }
0x47: {  	_ =	shalt  }
0x48: {  	_ =	shalt  }
0x49: {  	_ =	shalt  }
0x4a: {  	_ =	shalt  }
0x4b: {  	_ =	shalt  }
0x4c: {  	_ =	shalt  }
0x4d: {  	_ =	shalt  }
0x4e: {  	_ =	shalt  }
0x4f: {  	_ =	shalt  }
0x50: {  	_ =	shalt  }
0x51: {  	_ =	shalt  }
0x52: {  	_ =	shalt  }
0x53: {  	_ =	shalt  }
0x54: {  	_ =	shalt  }
0x55: {  	_ =	shalt  }
0x56: {  	_ =	shalt  }
0x57: {  	_ =	shalt  }
0x58: {  	_ =	shalt  }
0x59: {  	_ =	shalt  }
0x5a: {  	_ =	shalt  }
0x5b: {  	_ =	shalt  }
0x5c: {  	_ =	shalt  }
0x5d: {  	_ =	shalt  }
0x5e: {  	_ =	shalt  }
0x5f: {  	_ =	shalt  }
0x60: {  	_ =	shalt  }
0x61: {  	_ =	shalt  }
0x62: {  	_ =	shalt  }
0x63: {  	_ =	shalt  }
0x64: {  	_ =	shalt  }
0x65: {  	_ =	shalt  }
0x66: {  	_ =	shalt  }
0x67: {  	_ =	shalt  }
0x68: {  	_ =	shalt  }
0x69: {  	_ =	shalt  }
0x6a: {  	_ =	shalt  }
0x6b: {  	_ =	shalt  }
0x6c: {  	_ =	shalt  }
0x6d: {  	_ =	shalt  }
0x6e: {  	_ =	shalt  }
0x6f: {  	_ =	shalt  }
0x70: {  	_ =	shalt  }
0x71: {  	_ =	shalt  }
0x72: {  	_ =	shalt  }
0x73: {  	_ =	shalt  }
0x74: {  	_ =	shalt  }
0x75: {  	_ =	shalt  }
0x76: {  	_ =	shalt  }
0x77: {  	_ =	shalt  }
0x78: {  	_ =	shalt  }
0x79: {  	_ =	shalt  }
0x7a: {  	_ =	shalt  }
0x7b: {  	_ =	shalt  }
0x7c: {  	_ =	shalt  }
0x7d: {  	_ =	shalt  }
0x7e: {  	_ =	shalt  }
0x7f: {  	_ =	shalt  }
0x80: {  	_ =	shalt  }
0x81: {  	_ =	shalt  }
0x82: {  	_ =	shalt  }
0x83: {  	_ =	shalt  }
0x84: {  	_ =	shalt  }
0x85: {  	_ =	shalt  }
0x86: {  	_ =	shalt  }
0x87: {  	_ =	shalt  }
.Lfunc_end0:
.L_simem_size_0:
called_computation_lowered:
.L_overlay_start_0:
0x88: {  	s2 =	sld [smem:$0x3FD9]  }
0x89: {  	s3 =	sld [smem:$0x3FFE];
	_ =	sdelay $0x1  }
0x8a: {  	s1 =	srdreg.scid  }
0x8b: {  	s0 =	sand.u32 $0x1, s1  }
0x8c: {  	s17 =	sshll.u32 s0, $0xA;
	s2 =	sadd.s32 s3, s2  }
0x8d: {  	s2 =	sadd.s32 s2, s17  }
0x8e: {  	[smem:$0x3FC6] =	sst s2  }
0x8f: {  	_ = 	snop  }
0x90: {  	s2 =	sld [smem:$0x3FC9];
	(tm) =	ssettm $0x1  }
0x91: {  	s18 =	sld [smem:$0x3FFB];
	_ =	sdelay $0x3  }
0x92: {  	_ =	strace s18  }
0x93: {  	s3 =	sld [smem:$0x3FFC];
	_ =	sdelay $0x3  }
0x94: {  	_ =	strace s3  }
0x95: {  	s3 =	sld [smem:$0x3FFD];
	_ =	sdelay $0x3  }
0x96: {  	_ =	strace s3  }
0x97: {  	_ =	strace $0x8FFFFFFF  }
0x98: {  	s19 =	sld [smem:$0x3FDB];
	_ =	sdelay $0x1  }
0x99: {  	s4 =	simm.s32 $_scs_section_size  }
0x9a: {  	s5 =	simm.s32 $_size__tile_overlayer_lowered;
	s6 =	simm.s32 $_tile_overlayer_lowered  }
0x9b: {  	s22 =	simm.s32 $0x1BFF;
	s21 =	sshll.u32 s6, $0x1;
	s3 =	sadd.s32 s4, s19  }
0x9c: {  	s7 =	simm.s32 $0x0;
	s20 =	sshll.u32 s5, $0x1;
	s5 =	sadd.s32 s21, s3  }
0x9d: {  	[timem:s7], [sflag:s22] =	dma.local [hbm:s5], s20  }
0x9e: {  	_ =	swait.ge [sflag:s22], s20  }
0x9f: {  	s4 =	ssub.s32 $0x0, s20;
	[sflag:s22] =	ssyncset.done $0x0  }
0xa0: {  	[sflag:s22] =	ssyncadd.s32 s4;
	_ =	sdelay $0x1  }
0xa1: {  	s23 =	simm.s32 $0x1B8B  }
0xa2: {  	_ =	swait.ge [sflag:s23], $0x1  }
0xa3: {  	[sflag:s23] =	ssyncset.done $0x0  }
0xa4: {  	s25 =	simm.s32 $0x1B8E;
	s24 =	sld [smem:$0x3FFE];
	[sflag:s23] =	ssyncadd.s32 $0xFFFFFFFF  }
0xa5: {  	s26 =	simm.s32 $execute0_lowered;
	[smem:$0x3FD2] =	sst s25  }
0xa6: {  	s5 =	sshll.u32 s26, $0x1;
	_ =	strace $0x80000046;
	[dreg:$0x1] =	wrdreg $0xFFFFFFFF  }
0xa7: {  	s28 =	simm.s32 $_size_execute0_lowered;
	s3 =	sadd.s32 s3, s5;
	[dreg:$0x0] =	wrdreg $0x0  }
0xa8: {  	s5 =	sshll.u32 s28, $0x1;
	[dreg:$0x2] =	wrdreg s3  }
0xa9: {  	[dreg:$0x3] =	wrdreg s5  }
0xaa: {  	[dreg:$0x4] =	wrdreg $0xC0  }
0xab: {  	_ =	task [dreg:s7], $0x5FFFF  }
0xac: {  	[dreg:$0x1] =	wrdreg $0xFFFFFFFF  }
0xad: {  	[dreg:$0x0] =	wrdreg $0x60  }
0xae: {  	[dreg:$0x2] =	wrdreg s24  }
0xaf: {  	[dreg:$0x3] =	wrdreg s2  }
0xb0: {  	[dreg:$0x4] =	wrdreg $0x9  }
0xb1: {  	_ =	task.clear_ibuf [dreg:s7], $0x5FFFF;
	_ =	strace $0x90000046  }
0xb2: {  	s29 =	simm.s32 $0x9;
	_ =	strace $0x80000048  }
0xb3: {  	_ =	swait.ge [sflag:s29], $0x1  }
0xb4: {  	[sflag:s29] =	ssyncadd.s32 $0xFFFFFFFF  }
0xb5: {  	_ =	strace $0x90000048  }
0xb6: {  	_ =	sfence  }
0xb7: {  	s30 =	sld [smem:$0x0];
	_ =	sdelay $0x2  }
0xb8: {  	s31 =	sshll.u32 s1, $0xD;
	s1 =	sshrl.u32 s1, $0x2  }
0xb9: {  	s3 =	sand.u32 $0x4000, s31;
	s1 =	sadd.s32 s1, s30  }
0xba: {  	s0 =	sor.u32 s3, s0;
	s1 =	sshll.u32 s1, $0x11  }
0xbb: {  	s0 =	sor.u32 s1, s0  }
0xbc: {  	s0 =	sadd.s32 $0x8F2B, s0  }
0xbd: {  	[sflag:s0] =	ssyncadd.remote.s32 $0x1  }
0xbe: {  	_ =	sfence.sel $0xFFFF  }
0xbf: {  	[dreg:$0x0] =	wrdreg $0xFFFFFFFF;
	(pc) =	sbr.abs _section_cstart, $3  }
0xc0: {  	[dreg:$0x1] =	wrdreg $0xFFFFFFFF  }
0xc1: {  	_ =	task.clear_ibuf [dreg:s7], $0x2FFFF;
	_ =	strace $0x9FFFFFFF  }
0xc2: {  	(tm) =	ssettm $0x7FFFFFFF  }
0xc3: {  	_ =	shalt  }
tec
execute0_lowered:
.L_overlay_start_1:
0x0: {  	(tag) =	ssettag $0x1  }
0x1: {  	s4 =	rddreg [dreg:$0x0]  }
0x2: {  	s5 =	rddreg [dreg:$0x1];
	s2 =	simm.s32 $0x0  }
0x3: {  	s3 =	srdreg.scid;
	s0 =	stileid.u32;
	s10 =	simm.s32 $0x3  }
0x4: {  	s11 =	simm.s32 $0x4;
	s13 =	simm.s32 $0x0;
	s6 =	sand.u32 $0x1, s3  }
0x5: {  	[smem:$0x7FF] =	sst s2;
	s7 =	sshll.u32 s0, $0xA;
	s8 =	sshll.u32 s6, $0x9  }
0x6: {  	s3 =	sadd.s32 $0x400, s4;
	s6 =	ssub.s32 $0x2, s6;
	s7 =	sor.u32 s8, s7  }
0x7: {  	_ =	strace $0x80000047;
	s9 =	sshrl.u32 s6, $0x1;
	s8 =	sshll.u32 s7, $0x4  }
0x8: {  	s7 =	sshrl.u32 s7, $0x3;
	s6 =	ssub.s32 s6, s9;
	s9 =	simm.s32 $0x2  }
0x9: {  	s8 =	sadd.s32 s8, s4;
	s4 =	sadd.s32 s5, s7;
	s6 =	smax.u32 s6, $0x1  }
0xa: {  	s7 =	simm.s32 $0x5;
	s5 =	sadd.s32 $0xF42800, s8;
	s8 =	simm.s32 $0x1  }
.LBB2_1:
0xb: {  	[tilespmem:s2], [sflag:$0x5] =	stream.linear.gather [hbm4b:s4+s2], $0x200, $0x38;
	[tilespmem:$0x10200] =	vst v63  }
0xc: {  	_ =	swait.ge [sflag:s7], $0x200  }
0xd: {  	[sflag:s7] =	ssyncset.done $0x0  }
0xe: {  	[sflag:s7] =	ssyncadd.s32 $0xFFFFFE00  }
0xf: {  	v0 =	vld [tilespmem:s2+$0x0];
	_ =	sdelay $0x4  }
0x10: {  	v0 =	vshll.u32 v0, $0x4  }
0x11: {  	(v2sf) =	vpush v0, $0x0  }
0x12: {  	(v2sf) =	vpush v0, $0x1  }
0x13: {  	(v2sf) =	vpush v0, $0x2;
	_ =	sdelay $0x1  }
0x14: {  	(v2sf) =	vpush v0, $0x4;
	_ =	sdelay $0x1  }
0x15: {  	(v2sf) =	vpush v0, $0x3  }
0x16: {  	(v2sf) =	vpush v0, $0x5  }
0x17: {  	s15 =	simm.s32 $0x2000;
	s14 =	simm.s32 $0x0;
	s16 =	simm.s32 $0x0;
	(v2sf) =	vpush v0, $0x6  }
.LBB2_2:
0x18: {  	p0 =	sne.s32 s15, $0x3E000  }
0x19: {  	s26 =	sadd.s32 $0x280, s14;
	s20 =	sadd.s32 $0x780, s14;
	s17 =	smov.u32 s15  }
0x1a: {  	s15 =	sadd.s32 $0x2000, s15;
	s23 =	sadd.s32 $0x580, s14;
	s18 =	sadd.s32 $0x800, s14;
	(v2sf) =	vpush v0, $0x7  }
0x1b: {  	s25 =	sadd.s32 $0x480, s14;
	s22 =	sadd.s32 $0x600, s14;
	s19 =	sadd.s32 $0x880, s14  }
0x1c: {  	s28 =	sadd.s32 $0x200, s14;
	s29 =	sadd.s32 $0x400, s14;
	(v2sf) =	vpush v0, $0x8  }
0x1d: {  	s30 =	sadd.s32 $0x500, s14;
	s16 =	sadd.s32 $0x10, s16  }
0x1e: {  	s31 =	sadd.s32 $0x300, s14;
	s21 =	sadd.s32 $0x700, s14;
	s24 =	spop (v2sf);
	(v2sf) =	vpush v0, $0x9  }
0x1f: {  	s0 =	sand.u32 $0x1FFFFFF0, s24;
	s24 =	sadd.s32 $0x680, s14;
	s1 =	spop (v2sf)  }
0x20: {  	s0 =	sadd.s32 s3, s0;
	s1 =	sand.u32 $0x1FFFFFF0, s1;
	s12 =	spop (v2sf);
	(v2sf) =	vpush v0, $0xA  }
0x21: {  	[tilespmem:s28], [sflag:$0x1] =	stream.linear.gather [hbm4b:s0+s2], $0x80, $0x38;
	[tilespmem:$0x10200] =	vst v63  }
0x22: {  	s0 =	sadd.s32 s3, s1;
	s1 =	sadd.s32 $0x380, s14;
	s28 =	spop (v2sf);
	(v2sf) =	vpush v0, $0xB  }
0x23: {  	[tilespmem:s26], [sflag:$0x2] =	stream.linear.gather [hbm4b:s0+s2], $0x80, $0x38;
	[tilespmem:$0x10200] =	vst v63  }
0x24: {  	s0 =	sand.u32 $0x1FFFFFF0, s12;
	s12 =	sand.u32 $0x1FFFFFF0, s28;
	s26 =	spop (v2sf);
	(v2sf) =	vpush v0, $0xC  }
0x25: {  	s0 =	sadd.s32 s3, s0;
	s26 =	sand.u32 $0x1FFFFFF0, s26;
	s28 =	spop (v2sf)  }
0x26: {  	[tilespmem:s31], [sflag:$0x3] =	stream.linear.gather [hbm4b:s0+s2], $0x80, $0x38;
	(v2sf) =	vpush v0, $0xD;
	[tilespmem:$0x10200] =	vst v63  }
0x27: {  	s0 =	sadd.s32 s3, s26;
	s26 =	sand.u32 $0x1FFFFFF0, s28;
	s28 =	spop (v2sf)  }
0x28: {  	[tilespmem:s1], [sflag:$0x4] =	stream.linear.gather [hbm4b:s0+s2], $0x80, $0x38;
	(v2sf) =	vpush v0, $0xE;
	[tilespmem:$0x10200] =	vst v63  }
0x29: {  	s0 =	sadd.s32 s3, s12;
	s1 =	sand.u32 $0x1FFFFFF0, s28;
	s12 =	spop (v2sf)  }
0x2a: {  	[tilespmem:s29], [sflag:$0x1] =	stream.linear.gather [hbm4b:s0+s2], $0x80, $0x38;
	(v2sf) =	vpush v0, $0xF;
	[tilespmem:$0x10200] =	vst v63  }
0x2b: {  	s0 =	sadd.s32 s3, s26;
	s12 =	sand.u32 $0x1FFFFFF0, s12;
	s26 =	spop (v2sf)  }
0x2c: {  	[tilespmem:s25], [sflag:$0x2] =	stream.linear.gather [hbm4b:s0+s2], $0x80, $0x38;
	[tilespmem:$0x10200] =	vst v63  }
0x2d: {  	s0 =	sadd.s32 s3, s1;
	s1 =	sand.u32 $0x1FFFFFF0, s26;
	s25 =	spop (v2sf)  }
0x2e: {  	[tilespmem:s30], [sflag:$0x3] =	stream.linear.gather [hbm4b:s0+s2], $0x80, $0x38;
	[tilespmem:$0x10200] =	vst v63  }
0x2f: {  	s0 =	sadd.s32 s3, s12;
	s12 =	sand.u32 $0x1FFFFFF0, s25;
	s25 =	spop (v2sf)  }
0x30: {  	[tilespmem:s23], [sflag:$0x4] =	stream.linear.gather [hbm4b:s0+s2], $0x80, $0x38;
	[tilespmem:$0x10200] =	vst v63  }
0x31: {  	s0 =	sadd.s32 s3, s1;
	s1 =	sand.u32 $0x1FFFFFF0, s25;
	s23 =	spop (v2sf)  }
0x32: {  	[tilespmem:s22], [sflag:$0x1] =	stream.linear.gather [hbm4b:s0+s2], $0x80, $0x38;
	[tilespmem:$0x10200] =	vst v63  }
0x33: {  	s0 =	sadd.s32 s3, s12;
	s12 =	sand.u32 $0x1FFFFFF0, s23;
	s22 =	spop (v2sf)  }
0x34: {  	[tilespmem:s24], [sflag:$0x2] =	stream.linear.gather [hbm4b:s0+s2], $0x80, $0x38;
	[tilespmem:$0x10200] =	vst v63  }
0x35: {  	s0 =	sadd.s32 s3, s1;
	s1 =	sand.u32 $0x1FFFFFF0, s22;
	s22 =	spop (v2sf)  }
0x36: {  	[tilespmem:s21], [sflag:$0x3] =	stream.linear.gather [hbm4b:s0+s2], $0x80, $0x38;
	[tilespmem:$0x10200] =	vst v63  }
0x37: {  	s0 =	sadd.s32 s3, s12;
	s12 =	sand.u32 $0x1FFFFFF0, s22;
	s21 =	spop (v2sf)  }
0x38: {  	[tilespmem:s20], [sflag:$0x4] =	stream.linear.gather [hbm4b:s0+s2], $0x80, $0x38;
	[tilespmem:$0x10200] =	vst v63  }
0x39: {  	s0 =	sadd.s32 s3, s1;
	s1 =	sand.u32 $0x1FFFFFF0, s21;
	s20 =	spop (v2sf)  }
0x3a: {  	[tilespmem:s18], [sflag:$0x1] =	stream.linear.gather [hbm4b:s0+s2], $0x80, $0x38;
	[tilespmem:$0x10200] =	vst v63  }
0x3b: {  	s0 =	sadd.s32 s3, s12;
	s12 =	sand.u32 $0x1FFFFFF0, s20  }
0x3c: {  	[tilespmem:s19], [sflag:$0x2] =	stream.linear.gather [hbm4b:s0+s2], $0x80, $0x38;
	[tilespmem:$0x10200] =	vst v63  }
0x3d: {  	s1 =	sadd.s32 s3, s1;
	s0 =	sadd.s32 $0x900, s14  }
0x3e: {  	[tilespmem:s0], [sflag:$0x3] =	stream.linear.gather [hbm4b:s1+s2], $0x80, $0x38;
	[tilespmem:$0x10200] =	vst v63  }
0x3f: {  	s0 =	sadd.s32 $0x980, s14;
	s1 =	sadd.s32 s3, s12  }
0x40: {  	[tilespmem:s0], [sflag:$0x4] =	stream.linear.gather [hbm4b:s1+s2], $0x80, $0x38;
	[tilespmem:$0x10200] =	vst v63  }
0x41: {  	v0 =	vld [tilespmem:s16+$0x0];
	_ =	sdelay $0x4  }
0x42: {  	v0 =	vshll.u32 v0, $0x4  }
0x43: {  	(v2sf) =	vpush v0, $0x0  }
0x44: {  	(v2sf) =	vpush v0, $0x1  }
0x45: {  	(v2sf) =	vpush v0, $0x2;
	_ =	sdelay $0x1  }
0x46: {  	(v2sf) =	vpush v0, $0x4  }
.Ltmp0:
0x47: {  	(pc) =	sbr.rel @p0 .LBB2_2-.Ltmp0, $3  }
0x48: {  	(v2sf) =	vpush v0, $0x3  }
0x49: {  	(v2sf) =	vpush v0, $0x5;
	_ =	sdelay $0x1  }
0x4a: {  	s14 =	sshra.s32 s17, $0x2;
	(v2sf) =	vpush v0, $0x6  }
0x4b: {  	_ =	sdelay $0x1  }
0x4c: {  	s0 =	sadd.s32 $0x280, s14;
	s17 =	sadd.s32 $0x780, s14  }
0x4d: {  	s1 =	sadd.s32 $0x580, s14;
	s15 =	sadd.s32 $0x800, s14;
	(v2sf) =	vpush v0, $0x7;
	s12 =	sadd.s32 $0x480, s14  }
0x4e: {  	s18 =	sadd.s32 $0x600, s14;
	s16 =	sadd.s32 $0x880, s14;
	s19 =	sadd.s32 $0x200, s14  }
0x4f: {  	s20 =	sadd.s32 $0x400, s14;
	s21 =	sadd.s32 $0x500, s14;
	(v2sf) =	vpush v0, $0x8;
	s22 =	spop (v2sf)  }
0x50: {  	s23 =	sadd.s32 $0x300, s14;
	s22 =	sand.u32 $0x1FFFFFF0, s22;
	s24 =	spop (v2sf)  }
0x51: {  	(v2sf) =	vpush v0, $0x9;
	s22 =	sadd.s32 s3, s22;
	s24 =	sand.u32 $0x1FFFFFF0, s24;
	s25 =	spop (v2sf)  }
0x52: {  	[tilespmem:s19], [sflag:$0x1] =	stream.linear.gather [hbm4b:s22+s2], $0x80, $0x38;
	[tilespmem:$0x10200] =	vst v63  }
0x53: {  	(v2sf) =	vpush v0, $0xA;
	s26 =	sadd.s32 s3, s24;
	s29 =	sand.u32 $0x1FFFFFF0, s25;
	s28 =	spop (v2sf)  }
0x54: {  	[tilespmem:s0], [sflag:$0x2] =	stream.linear.gather [hbm4b:s26+s2], $0x80, $0x38;
	[tilespmem:$0x10200] =	vst v63  }
0x55: {  	s19 =	sadd.s32 $0x700, s14;
	(v2sf) =	vpush v0, $0xB;
	s22 =	sadd.s32 s3, s29;
	s30 =	spop (v2sf)  }
0x56: {  	s0 =	sadd.s32 $0x680, s14;
	s26 =	sadd.s32 $0x380, s14;
	s25 =	sand.u32 $0x1FFFFFF0, s30  }
0x57: {  	(v2sf) =	vpush v0, $0xC;
	[tilespmem:s23], [sflag:$0x3] =	stream.linear.gather [hbm4b:s22+s2], $0x80, $0x38;
	[tilespmem:$0x10200] =	vst v63  }
0x58: {  	s31 =	sand.u32 $0x1FFFFFF0, s28;
	s28 =	spop (v2sf);
	s29 =	sadd.s32 s3, s25  }
0x59: {  	(v2sf) =	vpush v0, $0xD;
	[tilespmem:s26], [sflag:$0x4] =	stream.linear.gather [hbm4b:s29+s2], $0x80, $0x38;
	[tilespmem:$0x10200] =	vst v63  }
0x5a: {  	s22 =	sadd.s32 s3, s31;
	s23 =	sand.u32 $0x1FFFFFF0, s28;
	s30 =	spop (v2sf)  }
0x5b: {  	(v2sf) =	vpush v0, $0xE;
	[tilespmem:s20], [sflag:$0x1] =	stream.linear.gather [hbm4b:s22+s2], $0x80, $0x38;
	[tilespmem:$0x10200] =	vst v63  }
0x5c: {  	s23 =	sadd.s32 s3, s23;
	s31 =	sand.u32 $0x1FFFFFF0, s30;
	s24 =	spop (v2sf)  }
0x5d: {  	(v2sf) =	vpush v0, $0xF;
	[tilespmem:s12], [sflag:$0x2] =	stream.linear.gather [hbm4b:s23+s2], $0x80, $0x38;
	[tilespmem:$0x10200] =	vst v63  }
0x5e: {  	s25 =	sand.u32 $0x1FFFFFF0, s24;
	s26 =	spop (v2sf);
	s20 =	sadd.s32 s3, s31  }
0x5f: {  	[tilespmem:s21], [sflag:$0x3] =	stream.linear.gather [hbm4b:s20+s2], $0x80, $0x38;
	[tilespmem:$0x10200] =	vst v63  }
0x60: {  	s28 =	sand.u32 $0x1FFFFFF0, s26;
	s12 =	sadd.s32 s3, s25;
	s29 =	spop (v2sf)  }
0x61: {  	[tilespmem:s1], [sflag:$0x4] =	stream.linear.gather [hbm4b:s12+s2], $0x80, $0x38;
	[tilespmem:$0x10200] =	vst v63  }
0x62: {  	s20 =	sadd.s32 s3, s28;
	s30 =	sand.u32 $0x1FFFFFF0, s29;
	s31 =	spop (v2sf)  }
0x63: {  	[tilespmem:s18], [sflag:$0x1] =	stream.linear.gather [hbm4b:s20+s2], $0x80, $0x38;
	[tilespmem:$0x10200] =	vst v63  }
0x64: {  	s12 =	sand.u32 $0x1FFFFFF0, s31;
	s1 =	sadd.s32 s3, s30;
	s20 =	spop (v2sf)  }
0x65: {  	[tilespmem:s0], [sflag:$0x2] =	stream.linear.gather [hbm4b:s1+s2], $0x80, $0x38;
	[tilespmem:$0x10200] =	vst v63  }
0x66: {  	s12 =	sadd.s32 s3, s12;
	s21 =	sand.u32 $0x1FFFFFF0, s20;
	s22 =	spop (v2sf)  }
0x67: {  	[tilespmem:s19], [sflag:$0x3] =	stream.linear.gather [hbm4b:s12+s2], $0x80, $0x38;
	[tilespmem:$0x10200] =	vst v63  }
0x68: {  	s0 =	sadd.s32 s3, s21;
	s1 =	sand.u32 $0x1FFFFFF0, s22;
	s23 =	spop (v2sf)  }
0x69: {  	[tilespmem:s17], [sflag:$0x4] =	stream.linear.gather [hbm4b:s0+s2], $0x80, $0x38;
	[tilespmem:$0x10200] =	vst v63  }
0x6a: {  	s24 =	sand.u32 $0x1FFFFFF0, s23;
	s1 =	sadd.s32 s3, s1;
	s25 =	spop (v2sf)  }
0x6b: {  	[tilespmem:s15], [sflag:$0x1] =	stream.linear.gather [hbm4b:s1+s2], $0x80, $0x38;
	[tilespmem:$0x10200] =	vst v63  }
0x6c: {  	s26 =	sand.u32 $0x1FFFFFF0, s25;
	s28 =	spop (v2sf);
	s0 =	sadd.s32 s3, s24  }
0x6d: {  	[tilespmem:s16], [sflag:$0x2] =	stream.linear.gather [hbm4b:s0+s2], $0x80, $0x38;
	[tilespmem:$0x10200] =	vst v63  }
0x6e: {  	s30 =	sadd.s32 $0x900, s14;
	s29 =	sand.u32 $0x1FFFFFF0, s28;
	s1 =	sadd.s32 s3, s26  }
0x6f: {  	[tilespmem:s30], [sflag:$0x3] =	stream.linear.gather [hbm4b:s1+s2], $0x80, $0x38;
	[tilespmem:$0x10200] =	vst v63  }
0x70: {  	s31 =	sadd.s32 $0x980, s14;
	s0 =	sadd.s32 s3, s29  }
0x71: {  	[tilespmem:s31], [sflag:$0x4] =	stream.linear.gather [hbm4b:s0+s2], $0x80, $0x38;
	[tilespmem:$0x10200] =	vst v63  }
0x72: {  	_ =	swait.ge [sflag:s8], $0x80  }
0x73: {  	[sflag:s8] =	ssyncset.done $0x0  }
0x74: {  	[sflag:s8] =	ssyncadd.s32 $0xFFFFFF80  }
0x75: {  	_ =	swait.ge [sflag:s9], $0x80  }
0x76: {  	[sflag:s9] =	ssyncset.done $0x0  }
0x77: {  	[sflag:s9] =	ssyncadd.s32 $0xFFFFFF80  }
0x78: {  	_ =	swait.ge [sflag:s10], $0x80  }
0x79: {  	[sflag:s10] =	ssyncset.done $0x0  }
0x7a: {  	[sflag:s10] =	ssyncadd.s32 $0xFFFFFF80  }
0x7b: {  	_ =	swait.ge [sflag:s11], $0x80  }
0x7c: {  	s14 =	simm.s32 $0x7F;
	[sflag:s11] =	ssyncset.done $0x0  }
.LBB2_4:
0x7d: {  	p0 =	sne.s32 s14, $0x1;
	s14 =	sadd.s32 $0xFFFFFFFF, s14;
	[sflag:s11] =	ssyncadd.s32 $0xFFFFFF80  }
0x7e: {  	_ =	swait.ge [sflag:s8], $0x80  }
0x7f: {  	[sflag:s8] =	ssyncset.done $0x0  }
0x80: {  	[sflag:s8] =	ssyncadd.s32 $0xFFFFFF80  }
0x81: {  	_ =	swait.ge [sflag:s9], $0x80  }
0x82: {  	[sflag:s9] =	ssyncset.done $0x0  }
0x83: {  	[sflag:s9] =	ssyncadd.s32 $0xFFFFFF80  }
.Ltmp1:
0x84: {  	_ =	swait.ge [sflag:s10], $0x80;
	(pc) =	sbr.rel @p0 .LBB2_4-.Ltmp1, $4  }
0x85: {  	[sflag:s10] =	ssyncset.done $0x0  }
0x86: {  	[sflag:s10] =	ssyncadd.s32 $0xFFFFFF80  }
0x87: {  	_ =	swait.ge [sflag:s11], $0x80  }
0x88: {  	[sflag:s11] =	ssyncset.done $0x0  }
0x89: {  	[sflag:s11] =	ssyncadd.s32 $0xFFFFFF80;
	s14 =	simm.s32 $0x280  }
0x8a: {  	v1 =	vld [tilespmem:s14+$0xFFFFFF80]  }
0x8b: {  	v2 =	vld [tilespmem:s14+$0xFFFFFF90];
	_ =	sdelay $0x1  }
0x8c: {  	v3 =	vld [tilespmem:s14+$0xFFFFFFA0]  }
0x8d: {  	v6 =	vld [tilespmem:s14+$0xFFFFFFB0]  }
0x8e: {  	v0 =	vld [tilespmem:s14+$0x10]  }
0x8f: {  	v4 =	vld [tilespmem:s14+$0x0];
	v5 =	vmul.f32 v1, v1;
	v7 =	vmul.f32 v2, v2;
	_ =	sdelay $0x1  }
0x90: {  	v8 =	vmul.f32 v3, v3;
	v7 =	vadd.f32 v7, v5;
	v5 =	vld [tilespmem:s14+$0x20];
	_ =	sdelay $0x1  }
0x91: {  	v9 =	vmul.f32 v6, v6;
	v8 =	vadd.f32 v8, v7;
	v7 =	vld [tilespmem:s14+$0x30]  }
0x92: {  	v10 =	vmul.f32 v4, v4;
	v11 =	vmul.f32 v0, v0  }
0x93: {  	v8 =	vadd.f32 v9, v8  }
0x94: {  	v61 =	vadd.f32 v11, v10;
	v62 =	vmul.f32 v5, v5  }
0x95: {  	(xrf2) =	vadd.scan.msk.f32 $0xffff, v8  }
0x96: {  	v8 =	vadd.f32 v62, v61;
	v63 =	vmul.f32 v7, v7;
	_ =	sdelay $0x1  }
0x97: {  	v8 =	vadd.f32 v63, v8;
	_ =	sdelay $0x1  }
0x98: {  	(xrf2) =	vadd.scan.msk.f32 $0xffff, v8;
	_ =	sdelay $0x4  }
0x99: {  	v8, _, _ =	vpop (xrf2)  }
0x9a: {  	(v2sf) =	vpush v8, $0xF;
	_ =	sdelay $0x3  }
0x9b: {  	v8, _, _ =	vpop (xrf2)  }
0x9c: {  	(v2sf) =	vpush v8, $0xF;
	_ =	sdelay $0x9  }
0x9d: {  	s0 =	spop (v2sf)  }
0x9e: {  	s1 =	sshrl.u32 s0, $0x1;
	s0 =	smul.f32 $5.000000000e-01, s0  }
0x9f: {  	s1 =	ssub.s32 $0x5F3759DF, s1  }
0xa0: {  	s12 =	smul.f32 s1, s0;
	_ =	sdelay $0x1  }
0xa1: {  	s15 =	spop (v2sf);
	s12 =	smul.f32 s1, s12  }
0xa2: {  	s16 =	sshrl.u32 s15, $0x1;
	s15 =	smul.f32 $5.000000000e-01, s15  }
0xa3: {  	s12 =	ssub.f32 $1.500000000e+00, s12;
	s16 =	ssub.s32 $0x5F3759DF, s16  }
0xa4: {  	s17 =	smul.f32 s16, s15  }
0xa5: {  	s1 =	smul.f32 s1, s12  }
0xa6: {  	s26 =	smul.f32 s16, s17  }
0xa7: {  	s28 =	smul.f32 s1, s0  }
0xa8: {  	s12 =	ssub.f32 $1.500000000e+00, s26  }
0xa9: {  	s17 =	smul.f32 s28, s1  }
0xaa: {  	s12 =	smul.f32 s16, s12  }
0xab: {  	s29 =	ssub.f32 $1.500000000e+00, s17  }
0xac: {  	s30 =	smul.f32 s12, s15  }
0xad: {  	s1 =	smul.f32 s29, s1  }
0xae: {  	s31 =	smul.f32 s30, s12  }
0xaf: {  	s0 =	smul.f32 s1, s0  }
0xb0: {  	s16 =	ssub.f32 $1.500000000e+00, s31  }
0xb1: {  	s0 =	smul.f32 s0, s1  }
0xb2: {  	s17 =	smul.f32 s16, s12  }
0xb3: {  	s0 =	ssub.f32 $1.500000000e+00, s0  }
0xb4: {  	s12 =	smul.f32 s17, s15  }
0xb5: {  	s18 =	smul.f32 s0, s1  }
0xb6: {  	s16 =	simm.s32 $0x380;
	s15 =	simm.s32 $0x0;
	s19 =	smul.f32 s12, s17  }
.LBB2_6:
0xb7: {  	s15 =	sadd.s32 $0x2, s15;
	v1 =	vmul.f32 s18, v1  }
0xb8: {  	v2 =	vmul.f32 s18, v2;
	p0 =	slt.u32 s15, $0x1FE;
	s0 =	ssub.f32 $1.500000000e+00, s19  }
0xb9: {  	v3 =	vmul.f32 s18, v3;
	v6 =	vmul.f32 s18, v6;
	[tilespmem:s14+$0xFFFFFF80] =	vst v1  }
0xba: {  	v1 =	vld [tilespmem:s16+$0xFFFFFF80];
	[tilespmem:s14+$0xFFFFFF90] =	vst v2;
	s0 =	smul.f32 s0, s17  }
0xbb: {  	v2 =	vld [tilespmem:s16+$0xFFFFFF90];
	[tilespmem:s14+$0xFFFFFFB0] =	vst v6  }
0xbc: {  	[tilespmem:s14+$0xFFFFFFA0] =	vst v3;
	v4 =	vmul.f32 s0, v4;
	v0 =	vmul.f32 s0, v0  }
0xbd: {  	v5 =	vmul.f32 s0, v5;
	v7 =	vmul.f32 s0, v7;
	v3 =	vld [tilespmem:s16+$0xFFFFFFA0]  }
0xbe: {  	v6 =	vld [tilespmem:s16+$0xFFFFFFB0];
	[tilespmem:s14+$0x10] =	vst v0  }
0xbf: {  	v8 =	vmul.f32 v1, v1;
	v0 =	vld [tilespmem:s16+$0x10];
	[tilespmem:s14+$0x0] =	vst v4  }
0xc0: {  	v9 =	vmul.f32 v2, v2;
	v4 =	vld [tilespmem:s16+$0x0];
	[tilespmem:s14+$0x30] =	vst v7  }
0xc1: {  	[tilespmem:s14+$0x20] =	vst v5;
	s14 =	smov.u32 s16  }
0xc2: {  	v7 =	vadd.f32 v9, v8;
	v8 =	vmul.f32 v3, v3;
	v5 =	vld [tilespmem:s16+$0x20];
	_ =	sdelay $0x1  }
0xc3: {  	v9 =	vmul.f32 v6, v6;
	v8 =	vadd.f32 v8, v7;
	v7 =	vld [tilespmem:s16+$0x30]  }
0xc4: {  	v11 =	vmul.f32 v0, v0;
	v10 =	vmul.f32 v4, v4  }
0xc5: {  	v8 =	vadd.f32 v9, v8  }
0xc6: {  	v9 =	vadd.f32 v11, v10;
	v10 =	vmul.f32 v5, v5;
	_ =	sdelay $0x1  }
0xc7: {  	v9 =	vadd.f32 v10, v9;
	v10 =	vmul.f32 v7, v7;
	(xrf2) =	vadd.scan.msk.f32 $0xffff, v8;
	_ =	sdelay $0x1  }
0xc8: {  	v8 =	vadd.f32 v10, v9;
	_ =	sdelay $0x1  }
0xc9: {  	(xrf2) =	vadd.scan.msk.f32 $0xffff, v8;
	_ =	sdelay $0x5  }
0xca: {  	v8, _, _ =	vpop (xrf2)  }
0xcb: {  	(v2sf) =	vpush v8, $0xF;
	_ =	sdelay $0x2  }
0xcc: {  	v8, _, _ =	vpop (xrf2)  }
0xcd: {  	(v2sf) =	vpush v8, $0xF;
	_ =	sdelay $0xa  }
0xce: {  	s0 =	spop (v2sf)  }
0xcf: {  	s1 =	sshrl.u32 s0, $0x1;
	s0 =	smul.f32 $5.000000000e-01, s0  }
0xd0: {  	s1 =	ssub.s32 $0x5F3759DF, s1  }
0xd1: {  	s12 =	smul.f32 s1, s0;
	_ =	sdelay $0x1  }
0xd2: {  	s17 =	spop (v2sf);
	s12 =	smul.f32 s1, s12  }
0xd3: {  	s18 =	sshrl.u32 s17, $0x1;
	s19 =	smul.f32 $5.000000000e-01, s17  }
0xd4: {  	s17 =	ssub.s32 $0x5F3759DF, s18;
	s12 =	ssub.f32 $1.500000000e+00, s12  }
0xd5: {  	s18 =	smul.f32 s17, s19  }
0xd6: {  	s1 =	smul.f32 s1, s12  }
0xd7: {  	s12 =	smul.f32 s17, s18  }
0xd8: {  	s18 =	smul.f32 s1, s0  }
0xd9: {  	s12 =	ssub.f32 $1.500000000e+00, s12  }
0xda: {  	s18 =	smul.f32 s18, s1  }
0xdb: {  	s12 =	smul.f32 s17, s12  }
0xdc: {  	s17 =	ssub.f32 $1.500000000e+00, s18  }
0xdd: {  	s18 =	smul.f32 s12, s19  }
0xde: {  	s1 =	smul.f32 s17, s1  }
0xdf: {  	s17 =	smul.f32 s18, s12  }
0xe0: {  	s0 =	smul.f32 s1, s0  }
0xe1: {  	s17 =	ssub.f32 $1.500000000e+00, s17  }
0xe2: {  	s0 =	smul.f32 s0, s1  }
0xe3: {  	s17 =	smul.f32 s17, s12  }
.Ltmp2:
0xe4: {  	(pc) =	sbr.rel @p0 .LBB2_6-.Ltmp2, $4  }
0xe5: {  	s0 =	ssub.f32 $1.500000000e+00, s0  }
0xe6: {  	s12 =	smul.f32 s17, s19  }
0xe7: {  	s18 =	smul.f32 s0, s1  }
0xe8: {  	s16 =	sadd.s32 $0x100, s16;
	s19 =	smul.f32 s12, s17  }
0xe9: {  	_ = 	snop  }
0xea: {  	v1 =	vmul.f32 s18, v1;
	s0 =	ssub.f32 $1.500000000e+00, s19  }
0xeb: {  	v2 =	vmul.f32 s18, v2  }
0xec: {  	v60 =	vmul.f32 s18, v6;
	[tilespmem:s14+$0xFFFFFF80] =	vst v1;
	s0 =	smul.f32 s0, s17  }
0xed: {  	v3 =	vmul.f32 s18, v3;
	[tilespmem:s14+$0xFFFFFF90] =	vst v2  }
0xee: {  	[tilespmem:s14+$0xFFFFFFB0] =	vst v60;
	v0 =	vmul.f32 s0, v0  }
0xef: {  	[tilespmem:s14+$0xFFFFFFA0] =	vst v3;
	v61 =	vmul.f32 s0, v4  }
0xf0: {  	v62 =	vmul.f32 s0, v7;
	[tilespmem:s14+$0x10] =	vst v0  }
0xf1: {  	s13 =	sadd.s32 $0x1, s13;
	v63 =	vmul.f32 s0, v5;
	[tilespmem:s14+$0x0] =	vst v61  }
0xf2: {  	p0 =	sne.s32 s13, s6;
	[tilespmem:s14+$0x30] =	vst v62  }
.Ltmp3:
0xf3: {  	s31 =	simm.s32 $0x200;
	[tilespmem:s14+$0x20] =	vst v63;
	(pc) =	sbr.rel @p0 .LBB2_1-.Ltmp3, $4  }
0xf4: {  	[hbm4b:s5+s2] =	stream.linear.scatter [tilespmem:s31], [sflag:$0x5], $0x10000, $0x38;
	[tilespmem:$0x10200] =	vst v63  }
0xf5: {  	_ =	swait.ge [sflag:s7], $0x10000  }
0xf6: {  	[sflag:s7] =	ssyncset.done $0x0  }
0xf7: {  	[sflag:s7] =	ssyncadd.s32 $0xFFFF0000  }
0xf8: {  	_ =	sfence.sel $0x180000  }
0xf9: {  	[bflag:$0x0] =	sbarrier.arrive $0xFFFF  }
0xfa: {  	_ =	strace $0x90000047  }
0xfb: {  	s0 =	stileid.u32;
	[bflag:$0x2] =	sbarrier.arrive $0xFFFF  }
0xfc: {  	p0 =	sne.s32 s0, $0x0;
	s0 =	rddreg [dreg:$0x2]  }
0xfd: {  	s0 =	sadd.s32 @!p0 $0x100000, s0  }
0xfe: {  	[sflag:s0] =	ssyncadd.tile.s32 @!p0 $0x1;
	_ =	shalt  }
.Lfunc_end2:
_tile_overlayer_lowered:
.L_overlay_start_2:
0xff: {  	(tag) =	ssettag $0x2  }
0x100: {  	s0 =	rddreg [dreg:$0x0];
	s2 =	stileid.u32  }
0x101: {  	s1 =	rddreg [dreg:$0x1];
	p0 =	sne.s32 s2, $0x0  }
0x102: {  	s3 =	rddreg [dreg:$0x2];
	[bflag:$0x3] =	sbarrier.arrive $0xFFFF;
	s2 =	simm.s32 @!p0 $0x1C05  }
0x103: {  	[timem:s3], [sflag:s2] =	dma.local @!p0 [hbm:s0], s1  }
0x104: {  	s0 =	simm.s32 @!p0 $0x5  }
0x105: {  	_ =	swait.ge @!p0 [sflag:s0], s1  }
0x106: {  	s1 =	ssub.s32 @!p0 $0x0, s1;
	[sflag:s0] =	ssyncset.done @!p0 $0x0  }
0x107: {  	[sflag:s0] =	ssyncadd.s32 @!p0 s1  }
0x108: {  	[bflag:$0x3] =	sbarrier.arrive $0xFFFF  }
0x109: {  	_ =	shalt  }

</sc_bundles>
